<compile_context>
chip_gen: v7x
topology: tpu7x:2x2x1
jax: 0.10.2.dev20260603
libtpu: 0.0.44.dev20260713+nightly
codegen_flags: <defaults>
</compile_context>

<pallas_src>
import functools

import jax
import jax.numpy as jnp
from jax import lax
from jax.experimental import pallas as pl
from jax.experimental.pallas import tpu as pltpu
from jax.experimental.pallas import tpu_sc as plsc

N_NODES = 10000
N_EDGES = 320000
D = 128
G = 64
CHUNK = 80
NC = 2
NS = 16
NW = NC * NS
NODE_CHUNKS = N_NODES // CHUNK
GPW = N_EDGES // NW

SPLIT = 320000
EPW = SPLIT // NW
CPW = EPW // CHUNK
TAIL = N_EDGES - SPLIT
BE2 = 4000
BET = 3200


def _gid_body(dst1_hbm, dst2_hbm, batch_hbm, gid1_out, gid2_out,
              batch_v, idx_all, gid_all):
    cid = lax.axis_index("c")
    sid = lax.axis_index("s")
    wid = sid * NC + cid
    wbase = pl.multiple_of(wid * GPW, 8)
    pltpu.sync_copy(batch_hbm, batch_v)

    for dst_hbm, gid_out in ((dst1_hbm, gid1_out), (dst2_hbm, gid2_out)):
        pltpu.sync_copy(dst_hbm.at[pl.ds(wbase, GPW)], idx_all)

        def _g(j, _):
            iv = idx_all[pl.ds(j * 16, 16)]
            gid_all[pl.ds(j * 16, 16)] = plsc.load_gather(batch_v, [iv])
            return 0
        lax.fori_loop(0, GPW // 16, _g, 0)
        pltpu.sync_copy(gid_all, gid_out.at[pl.ds(wbase, GPW)])


_sc_gid = functools.partial(
    pl.kernel,
    out_type=[
        jax.ShapeDtypeStruct((N_EDGES,), jnp.int32),
        jax.ShapeDtypeStruct((N_EDGES,), jnp.int32),
    ],
    mesh=plsc.VectorSubcoreMesh(core_axis_name="c", subcore_axis_name="s"),
    compiler_params=pltpu.CompilerParams(needs_layout_passes=False),
    scratch_types=[
        pltpu.VMEM((N_NODES,), jnp.int32),
        pltpu.VMEM((GPW,), jnp.int32),
        pltpu.VMEM((GPW,), jnp.int32),
    ],
)(_gid_body)


def _sc_body(attr0, attr1, gid1_hbm, batch_hbm,
             partial_out, counts_out,
             gid_flat, gid_e, gid_n, rows_v, rows_b, ones_v,
             zero_v, acc_sh, cnt_sh, sem0, sem1):
    cid = lax.axis_index("c")
    sid = lax.axis_index("s")
    wid = sid * NC + cid

    zf = jnp.zeros((16,), jnp.float32)
    of = jnp.ones((16,), jnp.float32)

    def _zrow(r, _):
        for j in range(D // 16):
            zero_v[r, pl.ds(j * 16, 16)] = zf
        return 0
    lax.fori_loop(0, G, _zrow, 0)

    def _orow(r, _):
        for j in range(D // 16):
            ones_v[r, pl.ds(j * 16, 16)] = of
        return 0
    lax.fori_loop(0, CHUNK, _orow, 0)

    @pl.when(sid == 0)
    def _():
        pltpu.sync_copy(zero_v, acc_sh)
        pltpu.sync_copy(zero_v, cnt_sh)

    pltpu.sync_copy(gid1_hbm.at[pl.ds(pl.multiple_of(wid * EPW, 8), EPW)],
                    gid_flat)

    def _pack(j, _):
        for u in range(CHUNK // 16):
            gid_e[j, pl.ds(u * 16, 16)] = gid_flat[pl.ds(j * CHUNK + u * 16, 16)]
        return 0
    lax.fori_loop(0, CPW, _pack, 0)
    plsc.subcore_barrier()

    wbase = pl.multiple_of(wid * EPW, 8)

    def _fill(buf, sem, ci):
        base = pl.multiple_of(wbase + ci * CHUNK, 8)
        pltpu.async_copy(attr1.at[pl.ds(base, CHUNK)], buf, sem)

    def _wait(buf, sem):
        pltpu.make_async_copy(attr1.at[pl.ds(0, CHUNK)], buf, sem).wait()

    _fill(rows_v, sem0, 0)

    def body(k, _):
        i0 = k * 2
        _wait(rows_v, sem0)
        _fill(rows_b, sem1, i0 + 1)
        pltpu.sync_copy(rows_v, acc_sh.at[gid_e.at[i0]], add=True)
        _wait(rows_b, sem1)
        @pl.when(i0 + 2 < CPW)
        def _():
            _fill(rows_v, sem0, i0 + 2)
        pltpu.sync_copy(rows_b, acc_sh.at[gid_e.at[i0 + 1]], add=True)
        return 0
    lax.fori_loop(0, CPW // 2, body, 0)
    if CPW % 2:
        _wait(rows_v, sem0)
        pltpu.sync_copy(rows_v, acc_sh.at[gid_e.at[CPW - 1]], add=True)

    def _node_body(i, _):
        ci = i * NW + wid
        @pl.when(ci < NODE_CHUNKS)
        def _():
            base = pl.multiple_of(ci * CHUNK, 8)
            pltpu.sync_copy(batch_hbm.at[pl.ds(base, CHUNK)], gid_n)
            pltpu.sync_copy(attr0.at[pl.ds(base, CHUNK)], rows_v)
            pltpu.sync_copy(rows_v, acc_sh.at[gid_n], add=True)
            pltpu.sync_copy(ones_v, cnt_sh.at[gid_n], add=True)
        return 0
    lax.fori_loop(0, (NODE_CHUNKS + NW - 1) // NW, _node_body, 0)

    plsc.subcore_barrier()

    @pl.when(sid == 0)
    def _():
        pltpu.sync_copy(acc_sh, partial_out.at[cid])
        pltpu.sync_copy(cnt_sh, counts_out.at[cid])


_sc_pool = functools.partial(
    pl.kernel,
    out_type=[
        jax.ShapeDtypeStruct((NC, G, D), jnp.float32),
        jax.ShapeDtypeStruct((NC, G, D), jnp.float32),
    ],
    mesh=plsc.VectorSubcoreMesh(core_axis_name="c", subcore_axis_name="s"),
    compiler_params=pltpu.CompilerParams(needs_layout_passes=False),
    scratch_types=[
        pltpu.VMEM((EPW,), jnp.int32),
        pltpu.VMEM((CPW, CHUNK), jnp.int32),
        pltpu.VMEM((CHUNK,), jnp.int32),
        pltpu.VMEM((CHUNK, D), jnp.float32),
        pltpu.VMEM((CHUNK, D), jnp.float32),
        pltpu.VMEM((CHUNK, D), jnp.float32),
        pltpu.VMEM((G, D), jnp.float32),
        pltpu.VMEM_SHARED((G, D), jnp.float32),
        pltpu.VMEM_SHARED((G, D), jnp.float32),
        pltpu.SemaphoreType.DMA,
        pltpu.SemaphoreType.DMA,
    ],
)(_sc_body)


def _tc_onehot_body(gid_ref, x_ref, o_ref):
    i = pl.program_id(0)
    gid = gid_ref[0]
    be = gid_ref.shape[2]
    iota = lax.broadcasted_iota(jnp.int32, (G, be), 0)
    onehot = (gid == iota).astype(jnp.float32)
    p = jax.lax.dot_general(onehot, x_ref[...], (((1,), (0,)), ((), ())),
                            preferred_element_type=jnp.float32,
                            precision=jax.lax.Precision.HIGHEST)

    @pl.when(i == 0)
    def _():
        o_ref[...] = jnp.zeros_like(o_ref)
    o_ref[...] += p


def _tc_segment_sum(gid, attr, be, start_block=0):
    n = attr.shape[0]
    nb = n // be - start_block
    gid3 = gid.reshape(n // be, 1, be)
    return pl.pallas_call(
        _tc_onehot_body,
        grid=(nb,),
        in_specs=[
            pl.BlockSpec((1, 1, be), lambda i: (i + start_block, 0, 0)),
            pl.BlockSpec((be, D), lambda i: (i + start_block, 0)),
        ],
        out_specs=pl.BlockSpec((G, D), lambda i: (0, 0)),
        out_shape=jax.ShapeDtypeStruct((G, D), jnp.float32),
    )(gid3, attr)


def _combine_body(p_ref, *rest):
    *q_refs, c_ref, o_ref = rest
    s = p_ref[0] + p_ref[1]
    for q in q_refs:
        s = s + q[...]
    cnt = c_ref[0, :, 0:1] + c_ref[1, :, 0:1]
    o_ref[...] = s / jnp.maximum(cnt, 1.0)


def kernel(edge_attr0, edge_attr1, edge_attr2, edge_index, edge_index2,
           num_nodes, batch):
    dst1 = edge_index[1].astype(jnp.int32)
    dst2 = edge_index2[1].astype(jnp.int32)
    batch32 = batch.astype(jnp.int32)
    gid1, gid2 = _sc_gid(dst1, dst2, batch32)
    tc_parts = [_tc_segment_sum(gid2, edge_attr2, BE2)]
    if TAIL:
        tc_parts.append(
            _tc_segment_sum(gid1, edge_attr1, BET, start_block=SPLIT // BET))
    partial, counts = _sc_pool(edge_attr0, edge_attr1, gid1, batch32)
    out = pl.pallas_call(
        _combine_body,
        out_shape=jax.ShapeDtypeStruct((G, D), jnp.float32),
    )(partial, *tc_parts, counts)
    return out

# --- scband reference (transcript-rebuilt; emitter-appended) ---
"""Pipeline reference for scband-graph-level-pooling-2302102471406 (READ-ONLY COPY).

The authoritative reference and input builder live on the scoring server;
editing this copy changes nothing except your own understanding.
"""

import jax, jax.numpy as jnp
import numpy as np

N_NODES = 10000
N_EDGES = 320000
D = 128
NUM_GRAPHS = 64


def setup_inputs(seed: int = 0) -> dict:
    key = jax.random.key(seed)
    k0, k1, k2, k3, k4, k5 = jax.random.split(key, 6)
    edge_attr0 = jax.random.normal(k0, (N_NODES, D), dtype=jnp.float32)
    edge_attr1 = jax.random.normal(k1, (N_EDGES, D), dtype=jnp.float32)
    edge_attr2 = jax.random.normal(k2, (N_EDGES, D), dtype=jnp.float32)
    edge_index = jax.random.randint(k3, (2, N_EDGES), 0, N_NODES, dtype=jnp.int64 if jax.config.jax_enable_x64 else jnp.int32)
    edge_index2 = jax.random.randint(k4, (2, N_EDGES), 0, N_NODES, dtype=jnp.int64 if jax.config.jax_enable_x64 else jnp.int32)
    batch = jnp.sort(jax.random.randint(k5, (N_NODES,), 0, NUM_GRAPHS, dtype=jnp.int64 if jax.config.jax_enable_x64 else jnp.int32))
    return {
        "edge_attr0": edge_attr0,
        "edge_attr1": edge_attr1,
        "edge_attr2": edge_attr2,
        "edge_index": edge_index,
        "edge_index2": edge_index2,
        "num_nodes": N_NODES,
        "batch": batch,
    }


def reference(edge_attr0, edge_attr1, edge_attr2, edge_index, edge_index2, num_nodes, batch):
    num_nodes_static = edge_attr0.shape[0]
    # scatter(edge_attr1, edge_index[1], dim=0, dim_size=num_nodes, reduce='sum')
    s1 = jax.ops.segment_sum(edge_attr1, edge_index[1], num_segments=num_nodes_static)
    # scatter(edge_attr2, edge_index2[1], dim=0, dim_size=num_nodes, reduce='sum')
    s2 = jax.ops.segment_sum(edge_attr2, edge_index2[1], num_segments=num_nodes_static)
    node_emb = edge_attr0 + s1 + s2
    node_emb = node_emb + (num_nodes * jnp.zeros((), dtype=node_emb.dtype))
    # scatter(node_emb, batch, dim=0, reduce='mean')
    sums = jax.ops.segment_sum(node_emb, batch, num_segments=NUM_GRAPHS)
    counts = jax.ops.segment_sum(jnp.ones((node_emb.shape[0],), dtype=node_emb.dtype), batch, num_segments=NUM_GRAPHS)
    return sums / jnp.maximum(counts, 1.0)[:, None]

if __name__ == "__main__":
    import jax
    _d = setup_inputs()
    print(jax.jit(kernel)(*tuple(_d.values())))

</pallas_src>

<mosaic_0001>
#map = affine_map<(d0, d1) -> (0)>
module attributes {stable_mosaic.version = 14 : i64} {
  func.func @_gid_body(%arg0: i32, %arg1: i32, %arg2: memref<320000xi32, #tpu.memory_space<hbm>>, %arg3: memref<320000xi32, #tpu.memory_space<hbm>>, %arg4: memref<10000xi32, #tpu.memory_space<hbm>>, %arg5: memref<320000xi32, #tpu.memory_space<hbm>>, %arg6: memref<320000xi32, #tpu.memory_space<hbm>>, %arg7: memref<10000xi32, #tpu.memory_space<vmem>>, %arg8: memref<10000xi32, #tpu.memory_space<vmem>>, %arg9: memref<10000xi32, #tpu.memory_space<vmem>>) attributes {dimension_semantics = [#tpu.dimension_semantics<core_parallel>, #tpu.dimension_semantics<subcore_parallel>], iteration_bounds = array<i64: 2, 16>, scalar_prefetch = 0 : i64, scratch_operands = 3 : i64, tpu.core_type = #tpu.core_type<sc_vector_subcore>, window_params = [{transform_indices = #map}, {transform_indices = #map}, {transform_indices = #map}, {transform_indices = #map}, {transform_indices = #map}]} {
    %mul3A = arith.constant 2 : i32
    %mul3A_0 = arith.muli %arg1, %mul3A : i32
    %add3A = arith.addi %mul3A_0, %arg0 : i32
    %mul3A_1 = arith.constant 10000 : i32
    %mul3A_2 = arith.muli %add3A, %mul3A_1 : i32
    %multiple_of3A = tpu.assume_multiple %mul3A_2, 8 : i32
    "tpu.region"() ({
      %run_scoped3A = tpu.sem_alloc : memref<!tpu.dma_semaphore, #tpu.memory_space<semaphore_mem>>
      tpu.enqueue_dma source(%arg4 : memref<10000xi32, #tpu.memory_space<hbm>>) target(%arg7 : memref<10000xi32, #tpu.memory_space<vmem>>) target_semaphore(%run_scoped3A : memref<!tpu.dma_semaphore, #tpu.memory_space<semaphore_mem>>)
      tpu.wait_dma2 semaphore(%run_scoped3A : memref<!tpu.dma_semaphore, #tpu.memory_space<semaphore_mem>>) src(%arg4 : memref<10000xi32, #tpu.memory_space<hbm>>) dst(%arg7 : memref<10000xi32, #tpu.memory_space<vmem>>)
      tpu.yield
    }) : () -> ()
    "tpu.region"() ({
      %run_scoped3A = tpu.sem_alloc : memref<!tpu.dma_semaphore, #tpu.memory_space<semaphore_mem>>
      %dma_start3A = tpu.memref_slice %arg2[%multiple_of3A] : memref<320000xi32, #tpu.memory_space<hbm>> -> memref<10000xi32, #tpu.memory_space<hbm>>
      %dma_start3A_16 = tpu.memref_slice %arg2[%multiple_of3A] : memref<320000xi32, #tpu.memory_space<hbm>> -> memref<10000xi32, #tpu.memory_space<hbm>>
      tpu.enqueue_dma source(%dma_start3A_16 : memref<10000xi32, #tpu.memory_space<hbm>>) target(%arg8 : memref<10000xi32, #tpu.memory_space<vmem>>) target_semaphore(%run_scoped3A : memref<!tpu.dma_semaphore, #tpu.memory_space<semaphore_mem>>)
      %dma_wait3A = tpu.memref_slice %arg2[%multiple_of3A] : memref<320000xi32, #tpu.memory_space<hbm>> -> memref<10000xi32, #tpu.memory_space<hbm>>
      %dma_wait3A_17 = tpu.memref_slice %arg2[%multiple_of3A] : memref<320000xi32, #tpu.memory_space<hbm>> -> memref<10000xi32, #tpu.memory_space<hbm>>
      tpu.wait_dma2 semaphore(%run_scoped3A : memref<!tpu.dma_semaphore, #tpu.memory_space<semaphore_mem>>) src(%dma_wait3A_17 : memref<10000xi32, #tpu.memory_space<hbm>>) dst(%arg8 : memref<10000xi32, #tpu.memory_space<vmem>>)
      tpu.yield
    }) : () -> ()
    %scan3A = arith.constant 0 : i32
    %scan3A_3 = arith.constant 0 : i32
    %scan3A_4 = arith.constant 625 : i32
    %scan3A_5 = arith.addi %scan3A_3, %scan3A_4 : i32
    %scan3A_6 = arith.constant 1 : i32
    %scan3A_7 = scf.for %scan3A_16 = %scan3A_3 to %scan3A_5 step %scan3A_6 iter_args(%scan3A_17 = %scan3A) -> (i32)  : i32 {
      %mul3A_18 = arith.constant 16 : i32
      %mul3A_19 = arith.muli %scan3A_16, %mul3A_18 : i32
      %get3A = arith.index_cast %mul3A_19 : i32 to index
      %get3A_20 = tpu.vector_load %arg8[%get3A] {strides = array<i32>} : memref<10000xi32, #tpu.memory_space<vmem>>, vector<16xi32>,
      %gather3A = tpu.vector_load_idx %arg7[%get3A_20] : memref<10000xi32, #tpu.memory_space<vmem>>[vector<16xi32>], vector<16xi32>,
      %mul3A_21 = arith.constant 16 : i32
      %mul3A_22 = arith.muli %scan3A_16, %mul3A_21 : i32
      %swap3A = arith.index_cast %mul3A_22 : i32 to index
      %swap3A_23 = tpu.vector_load %arg9[%swap3A] {strides = array<i32>} : memref<10000xi32, #tpu.memory_space<vmem>>, vector<16xi32>,
      tpu.vector_store %arg9[%swap3A], %gather3A {strides = array<i32>} : memref<10000xi32, #tpu.memory_space<vmem>>, vector<16xi32>,
      %scan3A_24 = arith.constant 0 : i32
      scf.yield %scan3A_24 : i32
    }
    %scan3A_8 = arith.constant 625 : i32
    "tpu.region"() ({
      %run_scoped3A = tpu.sem_alloc : memref<!tpu.dma_semaphore, #tpu.memory_space<semaphore_mem>>
      %dma_start3A = tpu.memref_slice %arg5[%multiple_of3A] : memref<320000xi32, #tpu.memory_space<hbm>> -> memref<10000xi32, #tpu.memory_space<hbm>>
      %dma_start3A_16 = tpu.memref_slice %arg5[%multiple_of3A] : memref<320000xi32, #tpu.memory_space<hbm>> -> memref<10000xi32, #tpu.memory_space<hbm>>
      tpu.enqueue_dma source(%arg9 : memref<10000xi32, #tpu.memory_space<vmem>>) target(%dma_start3A_16 : memref<10000xi32, #tpu.memory_space<hbm>>) target_semaphore(%run_scoped3A : memref<!tpu.dma_semaphore, #tpu.memory_space<semaphore_mem>>)
      %dma_wait3A = tpu.memref_slice %arg5[%multiple_of3A] : memref<320000xi32, #tpu.memory_space<hbm>> -> memref<10000xi32, #tpu.memory_space<hbm>>
      %dma_wait3A_17 = tpu.memref_slice %arg5[%multiple_of3A] : memref<320000xi32, #tpu.memory_space<hbm>> -> memref<10000xi32, #tpu.memory_space<hbm>>
      tpu.wait_dma2 semaphore(%run_scoped3A : memref<!tpu.dma_semaphore, #tpu.memory_space<semaphore_mem>>) src(%arg9 : memref<10000xi32, #tpu.memory_space<vmem>>) dst(%dma_wait3A_17 : memref<10000xi32, #tpu.memory_space<hbm>>)
      tpu.yield
    }) : () -> ()
    "tpu.region"() ({
      %run_scoped3A = tpu.sem_alloc : memref<!tpu.dma_semaphore, #tpu.memory_space<semaphore_mem>>
      %dma_start3A = tpu.memref_slice %arg3[%multiple_of3A] : memref<320000xi32, #tpu.memory_space<hbm>> -> memref<10000xi32, #tpu.memory_space<hbm>>
      %dma_start3A_16 = tpu.memref_slice %arg3[%multiple_of3A] : memref<320000xi32, #tpu.memory_space<hbm>> -> memref<10000xi32, #tpu.memory_space<hbm>>
      tpu.enqueue_dma source(%dma_start3A_16 : memref<10000xi32, #tpu.memory_space<hbm>>) target(%arg8 : memref<10000xi32, #tpu.memory_space<vmem>>) target_semaphore(%run_scoped3A : memref<!tpu.dma_semaphore, #tpu.memory_space<semaphore_mem>>)
      %dma_wait3A = tpu.memref_slice %arg3[%multiple_of3A] : memref<320000xi32, #tpu.memory_space<hbm>> -> memref<10000xi32, #tpu.memory_space<hbm>>
      %dma_wait3A_17 = tpu.memref_slice %arg3[%multiple_of3A] : memref<320000xi32, #tpu.memory_space<hbm>> -> memref<10000xi32, #tpu.memory_space<hbm>>
      tpu.wait_dma2 semaphore(%run_scoped3A : memref<!tpu.dma_semaphore, #tpu.memory_space<semaphore_mem>>) src(%dma_wait3A_17 : memref<10000xi32, #tpu.memory_space<hbm>>) dst(%arg8 : memref<10000xi32, #tpu.memory_space<vmem>>)
      tpu.yield
    }) : () -> ()
    %scan3A_9 = arith.constant 0 : i32
    %scan3A_10 = arith.constant 0 : i32
    %scan3A_11 = arith.constant 625 : i32
    %scan3A_12 = arith.addi %scan3A_10, %scan3A_11 : i32
    %scan3A_13 = arith.constant 1 : i32
    %scan3A_14 = scf.for %scan3A_16 = %scan3A_10 to %scan3A_12 step %scan3A_13 iter_args(%scan3A_17 = %scan3A_9) -> (i32)  : i32 {
      %mul3A_18 = arith.constant 16 : i32
      %mul3A_19 = arith.muli %scan3A_16, %mul3A_18 : i32
      %get3A = arith.index_cast %mul3A_19 : i32 to index
      %get3A_20 = tpu.vector_load %arg8[%get3A] {strides = array<i32>} : memref<10000xi32, #tpu.memory_space<vmem>>, vector<16xi32>,
      %gather3A = tpu.vector_load_idx %arg7[%get3A_20] : memref<10000xi32, #tpu.memory_space<vmem>>[vector<16xi32>], vector<16xi32>,
      %mul3A_21 = arith.constant 16 : i32
      %mul3A_22 = arith.muli %scan3A_16, %mul3A_21 : i32
      %swap3A = arith.index_cast %mul3A_22 : i32 to index
      %swap3A_23 = tpu.vector_load %arg9[%swap3A] {strides = array<i32>} : memref<10000xi32, #tpu.memory_space<vmem>>, vector<16xi32>,
      tpu.vector_store %arg9[%swap3A], %gather3A {strides = array<i32>} : memref<10000xi32, #tpu.memory_space<vmem>>, vector<16xi32>,
      %scan3A_24 = arith.constant 0 : i32
      scf.yield %scan3A_24 : i32
    }
    %scan3A_15 = arith.constant 625 : i32
    "tpu.region"() ({
      %run_scoped3A = tpu.sem_alloc : memref<!tpu.dma_semaphore, #tpu.memory_space<semaphore_mem>>
      %dma_start3A = tpu.memref_slice %arg6[%multiple_of3A] : memref<320000xi32, #tpu.memory_space<hbm>> -> memref<10000xi32, #tpu.memory_space<hbm>>
      %dma_start3A_16 = tpu.memref_slice %arg6[%multiple_of3A] : memref<320000xi32, #tpu.memory_space<hbm>> -> memref<10000xi32, #tpu.memory_space<hbm>>
      tpu.enqueue_dma source(%arg9 : memref<10000xi32, #tpu.memory_space<vmem>>) target(%dma_start3A_16 : memref<10000xi32, #tpu.memory_space<hbm>>) target_semaphore(%run_scoped3A : memref<!tpu.dma_semaphore, #tpu.memory_space<semaphore_mem>>)
      %dma_wait3A = tpu.memref_slice %arg6[%multiple_of3A] : memref<320000xi32, #tpu.memory_space<hbm>> -> memref<10000xi32, #tpu.memory_space<hbm>>
      %dma_wait3A_17 = tpu.memref_slice %arg6[%multiple_of3A] : memref<320000xi32, #tpu.memory_space<hbm>> -> memref<10000xi32, #tpu.memory_space<hbm>>
      tpu.wait_dma2 semaphore(%run_scoped3A : memref<!tpu.dma_semaphore, #tpu.memory_space<semaphore_mem>>) src(%arg9 : memref<10000xi32, #tpu.memory_space<vmem>>) dst(%dma_wait3A_17 : memref<10000xi32, #tpu.memory_space<hbm>>)
      tpu.yield
    }) : () -> ()
    return
  }
}

#map = affine_map<(d0, d1) -> (0, 0)>
#map1 = affine_map<(d0, d1) -> (0)>
#map2 = affine_map<(d0, d1) -> (0, 0, 0)>
module attributes {stable_mosaic.version = 14 : i64} {
  func.func @_sc_body(%arg0: i32, %arg1: i32, %arg2: memref<10000x128xf32, #tpu.memory_space<hbm>>, %arg3: memref<320000x128xf32, #tpu.memory_space<hbm>>, %arg4: memref<320000xi32, #tpu.memory_space<hbm>>, %arg5: memref<10000xi32, #tpu.memory_space<hbm>>, %arg6: memref<2x64x128xf32, #tpu.memory_space<hbm>>, %arg7: memref<2x64x128xf32, #tpu.memory_space<hbm>>, %arg8: memref<10000xi32, #tpu.memory_space<vmem>>, %arg9: memref<125x80xi32, #tpu.memory_space<vmem>>, %arg10: memref<80xi32, #tpu.memory_space<vmem>>, %arg11: memref<80x128xf32, #tpu.memory_space<vmem>>, %arg12: memref<80x128xf32, #tpu.memory_space<vmem>>, %arg13: memref<80x128xf32, #tpu.memory_space<vmem>>, %arg14: memref<64x128xf32, #tpu.memory_space<vmem>>, %arg15: memref<64x128xf32, #tpu.memory_space<vmem_shared>>, %arg16: memref<64x128xf32, #tpu.memory_space<vmem_shared>>, %arg17: memref<!tpu.dma_semaphore, #tpu.memory_space<semaphore_mem>>, %arg18: memref<!tpu.dma_semaphore, #tpu.memory_space<semaphore_mem>>) attributes {dimension_semantics = [#tpu.dimension_semantics<core_parallel>, #tpu.dimension_semantics<subcore_parallel>], iteration_bounds = array<i64: 2, 16>, scalar_prefetch = 0 : i64, scratch_operands = 11 : i64, tpu.core_type = #tpu.core_type<sc_vector_subcore>, window_params = [{transform_indices = #map}, {transform_indices = #map}, {transform_indices = #map1}, {transform_indices = #map1}, {transform_indices = #map2}, {transform_indices = #map2}]} {
    %mul3A = arith.constant 2 : i32
    %mul3A_0 = arith.muli %arg1, %mul3A : i32
    %add3A = arith.addi %mul3A_0, %arg0 : i32
    %broadcast_in_dim3A = arith.constant 0.000000e+00 : f32
    %broadcast_in_dim3A_1 = vector.broadcast %broadcast_in_dim3A : f32 to vector<16xf32>
    %broadcast_in_dim3A_2 = arith.constant 1.000000e+00 : f32
    %broadcast_in_dim3A_3 = vector.broadcast %broadcast_in_dim3A_2 : f32 to vector<16xf32>
    %scan3A = arith.constant 0 : i32
    %scan3A_4 = arith.constant 0 : i32
    %scan3A_5 = arith.constant 64 : i32
    %scan3A_6 = arith.addi %scan3A_4, %scan3A_5 : i32
    %scan3A_7 = arith.constant 1 : i32
    %scan3A_8 = scf.for %scan3A_62 = %scan3A_4 to %scan3A_6 step %scan3A_7 iter_args(%scan3A_63 = %scan3A) -> (i32)  : i32 {
      %swap3A = arith.index_cast %scan3A_62 : i32 to index
      %swap3A_64 = arith.constant 0 : index
      %swap3A_65 = tpu.vector_load %arg14[%swap3A, %swap3A_64] {strides = array<i32>} : memref<64x128xf32, #tpu.memory_space<vmem>>, vector<16xf32>,
      tpu.vector_store %arg14[%swap3A, %swap3A_64], %broadcast_in_dim3A_1 {strides = array<i32>} : memref<64x128xf32, #tpu.memory_space<vmem>>, vector<16xf32>,
      %swap3A_66 = arith.index_cast %scan3A_62 : i32 to index
      %swap3A_67 = arith.constant 16 : index
      %swap3A_68 = tpu.vector_load %arg14[%swap3A_66, %swap3A_67] {strides = array<i32>} : memref<64x128xf32, #tpu.memory_space<vmem>>, vector<16xf32>,
      tpu.vector_store %arg14[%swap3A_66, %swap3A_67], %broadcast_in_dim3A_1 {strides = array<i32>} : memref<64x128xf32, #tpu.memory_space<vmem>>, vector<16xf32>,
      %swap3A_69 = arith.index_cast %scan3A_62 : i32 to index
      %swap3A_70 = arith.constant 32 : index
      %swap3A_71 = tpu.vector_load %arg14[%swap3A_69, %swap3A_70] {strides = array<i32>} : memref<64x128xf32, #tpu.memory_space<vmem>>, vector<16xf32>,
      tpu.vector_store %arg14[%swap3A_69, %swap3A_70], %broadcast_in_dim3A_1 {strides = array<i32>} : memref<64x128xf32, #tpu.memory_space<vmem>>, vector<16xf32>,
      %swap3A_72 = arith.index_cast %scan3A_62 : i32 to index
      %swap3A_73 = arith.constant 48 : index
      %swap3A_74 = tpu.vector_load %arg14[%swap3A_72, %swap3A_73] {strides = array<i32>} : memref<64x128xf32, #tpu.memory_space<vmem>>, vector<16xf32>,
      tpu.vector_store %arg14[%swap3A_72, %swap3A_73], %broadcast_in_dim3A_1 {strides = array<i32>} : memref<64x128xf32, #tpu.memory_space<vmem>>, vector<16xf32>,
      %swap3A_75 = arith.index_cast %scan3A_62 : i32 to index
      %swap3A_76 = arith.constant 64 : index
      %swap3A_77 = tpu.vector_load %arg14[%swap3A_75, %swap3A_76] {strides = array<i32>} : memref<64x128xf32, #tpu.memory_space<vmem>>, vector<16xf32>,
      tpu.vector_store %arg14[%swap3A_75, %swap3A_76], %broadcast_in_dim3A_1 {strides = array<i32>} : memref<64x128xf32, #tpu.memory_space<vmem>>, vector<16xf32>,
      %swap3A_78 = arith.index_cast %scan3A_62 : i32 to index
      %swap3A_79 = arith.constant 80 : index
      %swap3A_80 = tpu.vector_load %arg14[%swap3A_78, %swap3A_79] {strides = array<i32>} : memref<64x128xf32, #tpu.memory_space<vmem>>, vector<16xf32>,
      tpu.vector_store %arg14[%swap3A_78, %swap3A_79], %broadcast_in_dim3A_1 {strides = array<i32>} : memref<64x128xf32, #tpu.memory_space<vmem>>, vector<16xf32>,
      %swap3A_81 = arith.index_cast %scan3A_62 : i32 to index
      %swap3A_82 = arith.constant 96 : index
      %swap3A_83 = tpu.vector_load %arg14[%swap3A_81, %swap3A_82] {strides = array<i32>} : memref<64x128xf32, #tpu.memory_space<vmem>>, vector<16xf32>,
      tpu.vector_store %arg14[%swap3A_81, %swap3A_82], %broadcast_in_dim3A_1 {strides = array<i32>} : memref<64x128xf32, #tpu.memory_space<vmem>>, vector<16xf32>,
      %swap3A_84 = arith.index_cast %scan3A_62 : i32 to index
      %swap3A_85 = arith.constant 112 : index
      %swap3A_86 = tpu.vector_load %arg14[%swap3A_84, %swap3A_85] {strides = array<i32>} : memref<64x128xf32, #tpu.memory_space<vmem>>, vector<16xf32>,
      tpu.vector_store %arg14[%swap3A_84, %swap3A_85], %broadcast_in_dim3A_1 {strides = array<i32>} : memref<64x128xf32, #tpu.memory_space<vmem>>, vector<16xf32>,
      %scan3A_87 = arith.constant 0 : i32
      scf.yield %scan3A_87 : i32
    }
    %scan3A_9 = arith.constant 64 : i32
    %scan3A_10 = arith.constant 0 : i32
    %scan3A_11 = arith.constant 0 : i32
    %scan3A_12 = arith.constant 80 : i32
    %scan3A_13 = arith.addi %scan3A_11, %scan3A_12 : i32
    %scan3A_14 = arith.constant 1 : i32
    %scan3A_15 = scf.for %scan3A_62 = %scan3A_11 to %scan3A_13 step %scan3A_14 iter_args(%scan3A_63 = %scan3A_10) -> (i32)  : i32 {
      %swap3A = arith.index_cast %scan3A_62 : i32 to index
      %swap3A_64 = arith.constant 0 : index
      %swap3A_65 = tpu.vector_load %arg13[%swap3A, %swap3A_64] {strides = array<i32>} : memref<80x128xf32, #tpu.memory_space<vmem>>, vector<16xf32>,
      tpu.vector_store %arg13[%swap3A, %swap3A_64], %broadcast_in_dim3A_3 {strides = array<i32>} : memref<80x128xf32, #tpu.memory_space<vmem>>, vector<16xf32>,
      %swap3A_66 = arith.index_cast %scan3A_62 : i32 to index
      %swap3A_67 = arith.constant 16 : index
      %swap3A_68 = tpu.vector_load %arg13[%swap3A_66, %swap3A_67] {strides = array<i32>} : memref<80x128xf32, #tpu.memory_space<vmem>>, vector<16xf32>,
      tpu.vector_store %arg13[%swap3A_66, %swap3A_67], %broadcast_in_dim3A_3 {strides = array<i32>} : memref<80x128xf32, #tpu.memory_space<vmem>>, vector<16xf32>,
      %swap3A_69 = arith.index_cast %scan3A_62 : i32 to index
      %swap3A_70 = arith.constant 32 : index
      %swap3A_71 = tpu.vector_load %arg13[%swap3A_69, %swap3A_70] {strides = array<i32>} : memref<80x128xf32, #tpu.memory_space<vmem>>, vector<16xf32>,
      tpu.vector_store %arg13[%swap3A_69, %swap3A_70], %broadcast_in_dim3A_3 {strides = array<i32>} : memref<80x128xf32, #tpu.memory_space<vmem>>, vector<16xf32>,
      %swap3A_72 = arith.index_cast %scan3A_62 : i32 to index
      %swap3A_73 = arith.constant 48 : index
      %swap3A_74 = tpu.vector_load %arg13[%swap3A_72, %swap3A_73] {strides = array<i32>} : memref<80x128xf32, #tpu.memory_space<vmem>>, vector<16xf32>,
      tpu.vector_store %arg13[%swap3A_72, %swap3A_73], %broadcast_in_dim3A_3 {strides = array<i32>} : memref<80x128xf32, #tpu.memory_space<vmem>>, vector<16xf32>,
      %swap3A_75 = arith.index_cast %scan3A_62 : i32 to index
      %swap3A_76 = arith.constant 64 : index
      %swap3A_77 = tpu.vector_load %arg13[%swap3A_75, %swap3A_76] {strides = array<i32>} : memref<80x128xf32, #tpu.memory_space<vmem>>, vector<16xf32>,
      tpu.vector_store %arg13[%swap3A_75, %swap3A_76], %broadcast_in_dim3A_3 {strides = array<i32>} : memref<80x128xf32, #tpu.memory_space<vmem>>, vector<16xf32>,
      %swap3A_78 = arith.index_cast %scan3A_62 : i32 to index
      %swap3A_79 = arith.constant 80 : index
      %swap3A_80 = tpu.vector_load %arg13[%swap3A_78, %swap3A_79] {strides = array<i32>} : memref<80x128xf32, #tpu.memory_space<vmem>>, vector<16xf32>,
      tpu.vector_store %arg13[%swap3A_78, %swap3A_79], %broadcast_in_dim3A_3 {strides = array<i32>} : memref<80x128xf32, #tpu.memory_space<vmem>>, vector<16xf32>,
      %swap3A_81 = arith.index_cast %scan3A_62 : i32 to index
      %swap3A_82 = arith.constant 96 : index
      %swap3A_83 = tpu.vector_load %arg13[%swap3A_81, %swap3A_82] {strides = array<i32>} : memref<80x128xf32, #tpu.memory_space<vmem>>, vector<16xf32>,
      tpu.vector_store %arg13[%swap3A_81, %swap3A_82], %broadcast_in_dim3A_3 {strides = array<i32>} : memref<80x128xf32, #tpu.memory_space<vmem>>, vector<16xf32>,
      %swap3A_84 = arith.index_cast %scan3A_62 : i32 to index
      %swap3A_85 = arith.constant 112 : index
      %swap3A_86 = tpu.vector_load %arg13[%swap3A_84, %swap3A_85] {strides = array<i32>} : memref<80x128xf32, #tpu.memory_space<vmem>>, vector<16xf32>,
      tpu.vector_store %arg13[%swap3A_84, %swap3A_85], %broadcast_in_dim3A_3 {strides = array<i32>} : memref<80x128xf32, #tpu.memory_space<vmem>>, vector<16xf32>,
      %scan3A_87 = arith.constant 0 : i32
      scf.yield %scan3A_87 : i32
    }
    %scan3A_16 = arith.constant 80 : i32
    %eq3A = arith.constant 0 : i32
    %eq3A_17 = arith.cmpi eq, %arg1, %eq3A : i32
    %convert_element_type3A = arith.extui %eq3A_17 : i1 to i32
    %cond3A = arith.constant 0 : i32
    %cond3A_18 = arith.cmpi ne, %convert_element_type3A, %cond3A : i32
    scf.if %cond3A_18 {
      "tpu.region"() ({
        %run_scoped3A_62 = tpu.sem_alloc : memref<!tpu.dma_semaphore, #tpu.memory_space<semaphore_mem>>
        tpu.enqueue_dma source(%arg14 : memref<64x128xf32, #tpu.memory_space<vmem>>) target(%arg15 : memref<64x128xf32, #tpu.memory_space<vmem_shared>>) target_semaphore(%run_scoped3A_62 : memref<!tpu.dma_semaphore, #tpu.memory_space<semaphore_mem>>)
        tpu.wait_dma2 semaphore(%run_scoped3A_62 : memref<!tpu.dma_semaphore, #tpu.memory_space<semaphore_mem>>) src(%arg14 : memref<64x128xf32, #tpu.memory_space<vmem>>) dst(%arg15 : memref<64x128xf32, #tpu.memory_space<vmem_shared>>)
        tpu.yield
      }) : () -> ()
      "tpu.region"() ({
        %run_scoped3A_62 = tpu.sem_alloc : memref<!tpu.dma_semaphore, #tpu.memory_space<semaphore_mem>>
        tpu.enqueue_dma source(%arg14 : memref<64x128xf32, #tpu.memory_space<vmem>>) target(%arg16 : memref<64x128xf32, #tpu.memory_space<vmem_shared>>) target_semaphore(%run_scoped3A_62 : memref<!tpu.dma_semaphore, #tpu.memory_space<semaphore_mem>>)
        tpu.wait_dma2 semaphore(%run_scoped3A_62 : memref<!tpu.dma_semaphore, #tpu.memory_space<semaphore_mem>>) src(%arg14 : memref<64x128xf32, #tpu.memory_space<vmem>>) dst(%arg16 : memref<64x128xf32, #tpu.memory_space<vmem_shared>>)
        tpu.yield
      }) : () -> ()
    } else {
    }
    %mul3A_19 = arith.constant 10000 : i32
    %mul3A_20 = arith.muli %add3A, %mul3A_19 : i32
    %multiple_of3A = tpu.assume_multiple %mul3A_20, 8 : i32
    "tpu.region"() ({
      %run_scoped3A_62 = tpu.sem_alloc : memref<!tpu.dma_semaphore, #tpu.memory_space<semaphore_mem>>
      %dma_start3A_63 = tpu.memref_slice %arg4[%multiple_of3A] : memref<320000xi32, #tpu.memory_space<hbm>> -> memref<10000xi32, #tpu.memory_space<hbm>>
      %dma_start3A_64 = tpu.memref_slice %arg4[%multiple_of3A] : memref<320000xi32, #tpu.memory_space<hbm>> -> memref<10000xi32, #tpu.memory_space<hbm>>
      tpu.enqueue_dma source(%dma_start3A_64 : memref<10000xi32, #tpu.memory_space<hbm>>) target(%arg8 : memref<10000xi32, #tpu.memory_space<vmem>>) target_semaphore(%run_scoped3A_62 : memref<!tpu.dma_semaphore, #tpu.memory_space<semaphore_mem>>)
      %dma_wait3A_65 = tpu.memref_slice %arg4[%multiple_of3A] : memref<320000xi32, #tpu.memory_space<hbm>> -> memref<10000xi32, #tpu.memory_space<hbm>>
      %dma_wait3A_66 = tpu.memref_slice %arg4[%multiple_of3A] : memref<320000xi32, #tpu.memory_space<hbm>> -> memref<10000xi32, #tpu.memory_space<hbm>>
      tpu.wait_dma2 semaphore(%run_scoped3A_62 : memref<!tpu.dma_semaphore, #tpu.memory_space<semaphore_mem>>) src(%dma_wait3A_66 : memref<10000xi32, #tpu.memory_space<hbm>>) dst(%arg8 : memref<10000xi32, #tpu.memory_space<vmem>>)
      tpu.yield
    }) : () -> ()
    %scan3A_21 = arith.constant 0 : i32
    %scan3A_22 = arith.constant 0 : i32
    %scan3A_23 = arith.constant 125 : i32
    %scan3A_24 = arith.addi %scan3A_22, %scan3A_23 : i32
    %scan3A_25 = arith.constant 1 : i32
    %scan3A_26 = scf.for %scan3A_62 = %scan3A_22 to %scan3A_24 step %scan3A_25 iter_args(%scan3A_63 = %scan3A_21) -> (i32)  : i32 {
      %mul3A_64 = arith.constant 80 : i32
      %mul3A_65 = arith.muli %scan3A_62, %mul3A_64 : i32
      %add3A_66 = arith.constant 0 : i32
      %add3A_67 = arith.addi %mul3A_65, %add3A_66 : i32
      %get3A = arith.index_cast %add3A_67 : i32 to index
      %get3A_68 = tpu.vector_load %arg8[%get3A] {strides = array<i32>} : memref<10000xi32, #tpu.memory_space<vmem>>, vector<16xi32>,
      %swap3A = arith.index_cast %scan3A_62 : i32 to index
      %swap3A_69 = arith.constant 0 : index
      %swap3A_70 = tpu.vector_load %arg9[%swap3A, %swap3A_69] {strides = array<i32>} : memref<125x80xi32, #tpu.memory_space<vmem>>, vector<16xi32>,
      tpu.vector_store %arg9[%swap3A, %swap3A_69], %get3A_68 {strides = array<i32>} : memref<125x80xi32, #tpu.memory_space<vmem>>, vector<16xi32>,
      %mul3A_71 = arith.constant 80 : i32
      %mul3A_72 = arith.muli %scan3A_62, %mul3A_71 : i32
      %add3A_73 = arith.constant 16 : i32
      %add3A_74 = arith.addi %mul3A_72, %add3A_73 : i32
      %get3A_75 = arith.index_cast %add3A_74 : i32 to index
      %get3A_76 = tpu.vector_load %arg8[%get3A_75] {strides = array<i32>} : memref<10000xi32, #tpu.memory_space<vmem>>, vector<16xi32>,
      %swap3A_77 = arith.index_cast %scan3A_62 : i32 to index
      %swap3A_78 = arith.constant 16 : index
      %swap3A_79 = tpu.vector_load %arg9[%swap3A_77, %swap3A_78] {strides = array<i32>} : memref<125x80xi32, #tpu.memory_space<vmem>>, vector<16xi32>,
      tpu.vector_store %arg9[%swap3A_77, %swap3A_78], %get3A_76 {strides = array<i32>} : memref<125x80xi32, #tpu.memory_space<vmem>>, vector<16xi32>,
      %mul3A_80 = arith.constant 80 : i32
      %mul3A_81 = arith.muli %scan3A_62, %mul3A_80 : i32
      %add3A_82 = arith.constant 32 : i32
      %add3A_83 = arith.addi %mul3A_81, %add3A_82 : i32
      %get3A_84 = arith.index_cast %add3A_83 : i32 to index
      %get3A_85 = tpu.vector_load %arg8[%get3A_84] {strides = array<i32>} : memref<10000xi32, #tpu.memory_space<vmem>>, vector<16xi32>,
      %swap3A_86 = arith.index_cast %scan3A_62 : i32 to index
      %swap3A_87 = arith.constant 32 : index
      %swap3A_88 = tpu.vector_load %arg9[%swap3A_86, %swap3A_87] {strides = array<i32>} : memref<125x80xi32, #tpu.memory_space<vmem>>, vector<16xi32>,
      tpu.vector_store %arg9[%swap3A_86, %swap3A_87], %get3A_85 {strides = array<i32>} : memref<125x80xi32, #tpu.memory_space<vmem>>, vector<16xi32>,
      %mul3A_89 = arith.constant 80 : i32
      %mul3A_90 = arith.muli %scan3A_62, %mul3A_89 : i32
      %add3A_91 = arith.constant 48 : i32
      %add3A_92 = arith.addi %mul3A_90, %add3A_91 : i32
      %get3A_93 = arith.index_cast %add3A_92 : i32 to index
      %get3A_94 = tpu.vector_load %arg8[%get3A_93] {strides = array<i32>} : memref<10000xi32, #tpu.memory_space<vmem>>, vector<16xi32>,
      %swap3A_95 = arith.index_cast %scan3A_62 : i32 to index
      %swap3A_96 = arith.constant 48 : index
      %swap3A_97 = tpu.vector_load %arg9[%swap3A_95, %swap3A_96] {strides = array<i32>} : memref<125x80xi32, #tpu.memory_space<vmem>>, vector<16xi32>,
      tpu.vector_store %arg9[%swap3A_95, %swap3A_96], %get3A_94 {strides = array<i32>} : memref<125x80xi32, #tpu.memory_space<vmem>>, vector<16xi32>,
      %mul3A_98 = arith.constant 80 : i32
      %mul3A_99 = arith.muli %scan3A_62, %mul3A_98 : i32
      %add3A_100 = arith.constant 64 : i32
      %add3A_101 = arith.addi %mul3A_99, %add3A_100 : i32
      %get3A_102 = arith.index_cast %add3A_101 : i32 to index
      %get3A_103 = tpu.vector_load %arg8[%get3A_102] {strides = array<i32>} : memref<10000xi32, #tpu.memory_space<vmem>>, vector<16xi32>,
      %swap3A_104 = arith.index_cast %scan3A_62 : i32 to index
      %swap3A_105 = arith.constant 64 : index
      %swap3A_106 = tpu.vector_load %arg9[%swap3A_104, %swap3A_105] {strides = array<i32>} : memref<125x80xi32, #tpu.memory_space<vmem>>, vector<16xi32>,
      tpu.vector_store %arg9[%swap3A_104, %swap3A_105], %get3A_103 {strides = array<i32>} : memref<125x80xi32, #tpu.memory_space<vmem>>, vector<16xi32>,
      %scan3A_107 = arith.constant 0 : i32
      scf.yield %scan3A_107 : i32
    }
    %scan3A_27 = arith.constant 125 : i32
    %barrier3A = arith.constant 0 : index
    tpu.barrier barrier_id(%barrier3A)
    %mul3A_28 = arith.constant 10000 : i32
    %mul3A_29 = arith.muli %add3A, %mul3A_28 : i32
    %multiple_of3A_30 = tpu.assume_multiple %mul3A_29, 8 : i32
    %add3A_31 = arith.constant 0 : i32
    %add3A_32 = arith.addi %multiple_of3A_30, %add3A_31 : i32
    %multiple_of3A_33 = tpu.assume_multiple %add3A_32, 8 : i32
    %dma_start3A = arith.constant 0 : i32
    %dma_start3A_34 = tpu.memref_slice %arg3[%multiple_of3A_33, %dma_start3A] : memref<320000x128xf32, #tpu.memory_space<hbm>> -> memref<80x128xf32, #tpu.memory_space<hbm>>
    %dma_start3A_35 = arith.constant 0 : i32
    %dma_start3A_36 = tpu.memref_slice %arg3[%multiple_of3A_33, %dma_start3A_35] : memref<320000x128xf32, #tpu.memory_space<hbm>> -> memref<80x128xf32, #tpu.memory_space<hbm>>
    tpu.enqueue_dma source(%dma_start3A_36 : memref<80x128xf32, #tpu.memory_space<hbm>>) target(%arg11 : memref<80x128xf32, #tpu.memory_space<vmem>>) target_semaphore(%arg17 : memref<!tpu.dma_semaphore, #tpu.memory_space<semaphore_mem>>)
    %scan3A_37 = arith.constant 0 : i32
    %scan3A_38 = arith.constant 0 : i32
    %scan3A_39 = arith.constant 62 : i32
    %scan3A_40 = arith.addi %scan3A_38, %scan3A_39 : i32
    %scan3A_41 = arith.constant 1 : i32
    %scan3A_42 = scf.for %scan3A_62 = %scan3A_38 to %scan3A_40 step %scan3A_41 iter_args(%scan3A_63 = %scan3A_37) -> (i32)  : i32 {
      %mul3A_64 = arith.constant 2 : i32
      %mul3A_65 = arith.muli %scan3A_62, %mul3A_64 : i32
      %dma_wait3A_66 = arith.constant 0 : i32
      %dma_wait3A_67 = arith.constant 0 : i32
      %dma_wait3A_68 = tpu.memref_slice %arg3[%dma_wait3A_66, %dma_wait3A_67] : memref<320000x128xf32, #tpu.memory_space<hbm>> -> memref<80x128xf32, #tpu.memory_space<hbm>>
      %dma_wait3A_69 = arith.constant 0 : i32
      %dma_wait3A_70 = arith.constant 0 : i32
      %dma_wait3A_71 = tpu.memref_slice %arg3[%dma_wait3A_69, %dma_wait3A_70] : memref<320000x128xf32, #tpu.memory_space<hbm>> -> memref<80x128xf32, #tpu.memory_space<hbm>>
      tpu.wait_dma2 semaphore(%arg17 : memref<!tpu.dma_semaphore, #tpu.memory_space<semaphore_mem>>) src(%dma_wait3A_71 : memref<80x128xf32, #tpu.memory_space<hbm>>) dst(%arg11 : memref<80x128xf32, #tpu.memory_space<vmem>>)
      %add3A_72 = arith.constant 1 : i32
      %add3A_73 = arith.addi %mul3A_65, %add3A_72 : i32
      %mul3A_74 = arith.constant 80 : i32
      %mul3A_75 = arith.muli %add3A_73, %mul3A_74 : i32
      %add3A_76 = arith.addi %multiple_of3A_30, %mul3A_75 : i32
      %multiple_of3A_77 = tpu.assume_multiple %add3A_76, 8 : i32
      %dma_start3A_78 = arith.constant 0 : i32
      %dma_start3A_79 = tpu.memref_slice %arg3[%multiple_of3A_77, %dma_start3A_78] : memref<320000x128xf32, #tpu.memory_space<hbm>> -> memref<80x128xf32, #tpu.memory_space<hbm>>
      %dma_start3A_80 = arith.constant 0 : i32
      %dma_start3A_81 = tpu.memref_slice %arg3[%multiple_of3A_77, %dma_start3A_80] : memref<320000x128xf32, #tpu.memory_space<hbm>> -> memref<80x128xf32, #tpu.memory_space<hbm>>
      tpu.enqueue_dma source(%dma_start3A_81 : memref<80x128xf32, #tpu.memory_space<hbm>>) target(%arg12 : memref<80x128xf32, #tpu.memory_space<vmem>>) target_semaphore(%arg18 : memref<!tpu.dma_semaphore, #tpu.memory_space<semaphore_mem>>)
      "tpu.region"() ({
        %run_scoped3A_97 = tpu.sem_alloc : memref<!tpu.dma_semaphore, #tpu.memory_space<semaphore_mem>>
        %dma_start3A_98 = arith.constant 0 : i32
        %dma_start3A_99 = tpu.memref_slice %arg9[%mul3A_65, %dma_start3A_98] : memref<125x80xi32, #tpu.memory_space<vmem>> -> memref<1x80xi32, #tpu.memory_space<vmem>>
        %dma_start3A_100 = tpu.memref_squeeze %dma_start3A_99 : memref<1x80xi32, #tpu.memory_space<vmem>> -> memref<80xi32, #tpu.memory_space<vmem>>
        %dma_start3A_101 = arith.constant 0 : i32
        %dma_start3A_102 = arith.constant 0 : i32
        %dma_start3A_103 = tpu.memref_slice %arg15[%dma_start3A_101, %dma_start3A_102] : memref<64x128xf32, #tpu.memory_space<vmem_shared>> -> memref<64x128xf32, #tpu.memory_space<vmem_shared>>
        tpu.enqueue_indirect_dma source(%arg11 : memref<80x128xf32, #tpu.memory_space<vmem>>) target(%dma_start3A_103 : memref<64x128xf32, #tpu.memory_space<vmem_shared>>) offsets(%dma_start3A_100 : memref<80xi32, #tpu.memory_space<vmem>>) semaphore(%run_scoped3A_97 : memref<!tpu.dma_semaphore, #tpu.memory_space<semaphore_mem>>) {add = true}
        %dma_wait3A_104 = arith.constant 0 : i32
        %dma_wait3A_105 = tpu.memref_slice %arg9[%mul3A_65, %dma_wait3A_104] : memref<125x80xi32, #tpu.memory_space<vmem>> -> memref<1x80xi32, #tpu.memory_space<vmem>>
        %dma_wait3A_106 = tpu.memref_squeeze %dma_wait3A_105 : memref<1x80xi32, #tpu.memory_space<vmem>> -> memref<80xi32, #tpu.memory_space<vmem>>
        %dma_wait3A_107 = arith.constant 0 : i32
        %dma_wait3A_108 = arith.constant 0 : i32
        %dma_wait3A_109 = tpu.memref_slice %arg15[%dma_wait3A_107, %dma_wait3A_108] : memref<64x128xf32, #tpu.memory_space<vmem_shared>> -> memref<64x128xf32, #tpu.memory_space<vmem_shared>>
        tpu.wait_indirect_dma semaphore(%run_scoped3A_97 : memref<!tpu.dma_semaphore, #tpu.memory_space<semaphore_mem>>) src(%arg11 : memref<80x128xf32, #tpu.memory_space<vmem>>) dst(%dma_wait3A_109 : memref<64x128xf32, #tpu.memory_space<vmem_shared>>)
        tpu.yield
      }) : () -> ()
      %dma_wait3A_82 = arith.constant 0 : i32
      %dma_wait3A_83 = arith.constant 0 : i32
      %dma_wait3A_84 = tpu.memref_slice %arg3[%dma_wait3A_82, %dma_wait3A_83] : memref<320000x128xf32, #tpu.memory_space<hbm>> -> memref<80x128xf32, #tpu.memory_space<hbm>>
      %dma_wait3A_85 = arith.constant 0 : i32
      %dma_wait3A_86 = arith.constant 0 : i32
      %dma_wait3A_87 = tpu.memref_slice %arg3[%dma_wait3A_85, %dma_wait3A_86] : memref<320000x128xf32, #tpu.memory_space<hbm>> -> memref<80x128xf32, #tpu.memory_space<hbm>>
      tpu.wait_dma2 semaphore(%arg18 : memref<!tpu.dma_semaphore, #tpu.memory_space<semaphore_mem>>) src(%dma_wait3A_87 : memref<80x128xf32, #tpu.memory_space<hbm>>) dst(%arg12 : memref<80x128xf32, #tpu.memory_space<vmem>>)
      %add3A_88 = arith.constant 2 : i32
      %add3A_89 = arith.addi %mul3A_65, %add3A_88 : i32
      %lt3A = arith.constant 125 : i32
      %lt3A_90 = arith.cmpi slt, %add3A_89, %lt3A : i32
      %convert_element_type3A_91 = arith.extui %lt3A_90 : i1 to i32
      %cond3A_92 = arith.constant 0 : i32
      %cond3A_93 = arith.cmpi ne, %convert_element_type3A_91, %cond3A_92 : i32
      scf.if %cond3A_93 {
        %add3A_97 = arith.constant 2 : i32
        %add3A_98 = arith.addi %mul3A_65, %add3A_97 : i32
        %mul3A_99 = arith.constant 80 : i32
        %mul3A_100 = arith.muli %add3A_98, %mul3A_99 : i32
        %add3A_101 = arith.addi %multiple_of3A_30, %mul3A_100 : i32
        %multiple_of3A_102 = tpu.assume_multiple %add3A_101, 8 : i32
        %dma_start3A_103 = arith.constant 0 : i32
        %dma_start3A_104 = tpu.memref_slice %arg3[%multiple_of3A_102, %dma_start3A_103] : memref<320000x128xf32, #tpu.memory_space<hbm>> -> memref<80x128xf32, #tpu.memory_space<hbm>>
        %dma_start3A_105 = arith.constant 0 : i32
        %dma_start3A_106 = tpu.memref_slice %arg3[%multiple_of3A_102, %dma_start3A_105] : memref<320000x128xf32, #tpu.memory_space<hbm>> -> memref<80x128xf32, #tpu.memory_space<hbm>>
        tpu.enqueue_dma source(%dma_start3A_106 : memref<80x128xf32, #tpu.memory_space<hbm>>) target(%arg11 : memref<80x128xf32, #tpu.memory_space<vmem>>) target_semaphore(%arg17 : memref<!tpu.dma_semaphore, #tpu.memory_space<semaphore_mem>>)
      } else {
      }
      %add3A_94 = arith.constant 1 : i32
      %add3A_95 = arith.addi %mul3A_65, %add3A_94 : i32
      "tpu.region"() ({
        %run_scoped3A_97 = tpu.sem_alloc : memref<!tpu.dma_semaphore, #tpu.memory_space<semaphore_mem>>
        %dma_start3A_98 = arith.constant 0 : i32
        %dma_start3A_99 = tpu.memref_slice %arg9[%add3A_95, %dma_start3A_98] : memref<125x80xi32, #tpu.memory_space<vmem>> -> memref<1x80xi32, #tpu.memory_space<vmem>>
        %dma_start3A_100 = tpu.memref_squeeze %dma_start3A_99 : memref<1x80xi32, #tpu.memory_space<vmem>> -> memref<80xi32, #tpu.memory_space<vmem>>
        %dma_start3A_101 = arith.constant 0 : i32
        %dma_start3A_102 = arith.constant 0 : i32
        %dma_start3A_103 = tpu.memref_slice %arg15[%dma_start3A_101, %dma_start3A_102] : memref<64x128xf32, #tpu.memory_space<vmem_shared>> -> memref<64x128xf32, #tpu.memory_space<vmem_shared>>
        tpu.enqueue_indirect_dma source(%arg12 : memref<80x128xf32, #tpu.memory_space<vmem>>) target(%dma_start3A_103 : memref<64x128xf32, #tpu.memory_space<vmem_shared>>) offsets(%dma_start3A_100 : memref<80xi32, #tpu.memory_space<vmem>>) semaphore(%run_scoped3A_97 : memref<!tpu.dma_semaphore, #tpu.memory_space<semaphore_mem>>) {add = true}
        %dma_wait3A_104 = arith.constant 0 : i32
        %dma_wait3A_105 = tpu.memref_slice %arg9[%add3A_95, %dma_wait3A_104] : memref<125x80xi32, #tpu.memory_space<vmem>> -> memref<1x80xi32, #tpu.memory_space<vmem>>
        %dma_wait3A_106 = tpu.memref_squeeze %dma_wait3A_105 : memref<1x80xi32, #tpu.memory_space<vmem>> -> memref<80xi32, #tpu.memory_space<vmem>>
        %dma_wait3A_107 = arith.constant 0 : i32
        %dma_wait3A_108 = arith.constant 0 : i32
        %dma_wait3A_109 = tpu.memref_slice %arg15[%dma_wait3A_107, %dma_wait3A_108] : memref<64x128xf32, #tpu.memory_space<vmem_shared>> -> memref<64x128xf32, #tpu.memory_space<vmem_shared>>
        tpu.wait_indirect_dma semaphore(%run_scoped3A_97 : memref<!tpu.dma_semaphore, #tpu.memory_space<semaphore_mem>>) src(%arg12 : memref<80x128xf32, #tpu.memory_space<vmem>>) dst(%dma_wait3A_109 : memref<64x128xf32, #tpu.memory_space<vmem_shared>>)
        tpu.yield
      }) : () -> ()
      %scan3A_96 = arith.constant 0 : i32
      scf.yield %scan3A_96 : i32
    }
    %scan3A_43 = arith.constant 62 : i32
    %dma_wait3A = arith.constant 0 : i32
    %dma_wait3A_44 = arith.constant 0 : i32
    %dma_wait3A_45 = tpu.memref_slice %arg3[%dma_wait3A, %dma_wait3A_44] : memref<320000x128xf32, #tpu.memory_space<hbm>> -> memref<80x128xf32, #tpu.memory_space<hbm>>
    %dma_wait3A_46 = arith.constant 0 : i32
    %dma_wait3A_47 = arith.constant 0 : i32
    %dma_wait3A_48 = tpu.memref_slice %arg3[%dma_wait3A_46, %dma_wait3A_47] : memref<320000x128xf32, #tpu.memory_space<hbm>> -> memref<80x128xf32, #tpu.memory_space<hbm>>
    tpu.wait_dma2 semaphore(%arg17 : memref<!tpu.dma_semaphore, #tpu.memory_space<semaphore_mem>>) src(%dma_wait3A_48 : memref<80x128xf32, #tpu.memory_space<hbm>>) dst(%arg11 : memref<80x128xf32, #tpu.memory_space<vmem>>)
    %run_scoped3A = arith.constant 124 : i32
    "tpu.region"() ({
      %run_scoped3A_62 = tpu.sem_alloc : memref<!tpu.dma_semaphore, #tpu.memory_space<semaphore_mem>>
      %dma_start3A_63 = arith.constant 0 : i32
      %dma_start3A_64 = tpu.memref_slice %arg9[%run_scoped3A, %dma_start3A_63] : memref<125x80xi32, #tpu.memory_space<vmem>> -> memref<1x80xi32, #tpu.memory_space<vmem>>
      %dma_start3A_65 = tpu.memref_squeeze %dma_start3A_64 : memref<1x80xi32, #tpu.memory_space<vmem>> -> memref<80xi32, #tpu.memory_space<vmem>>
      %dma_start3A_66 = arith.constant 0 : i32
      %dma_start3A_67 = arith.constant 0 : i32
      %dma_start3A_68 = tpu.memref_slice %arg15[%dma_start3A_66, %dma_start3A_67] : memref<64x128xf32, #tpu.memory_space<vmem_shared>> -> memref<64x128xf32, #tpu.memory_space<vmem_shared>>
      tpu.enqueue_indirect_dma source(%arg11 : memref<80x128xf32, #tpu.memory_space<vmem>>) target(%dma_start3A_68 : memref<64x128xf32, #tpu.memory_space<vmem_shared>>) offsets(%dma_start3A_65 : memref<80xi32, #tpu.memory_space<vmem>>) semaphore(%run_scoped3A_62 : memref<!tpu.dma_semaphore, #tpu.memory_space<semaphore_mem>>) {add = true}
      %dma_wait3A_69 = arith.constant 0 : i32
      %dma_wait3A_70 = tpu.memref_slice %arg9[%run_scoped3A, %dma_wait3A_69] : memref<125x80xi32, #tpu.memory_space<vmem>> -> memref<1x80xi32, #tpu.memory_space<vmem>>
      %dma_wait3A_71 = tpu.memref_squeeze %dma_wait3A_70 : memref<1x80xi32, #tpu.memory_space<vmem>> -> memref<80xi32, #tpu.memory_space<vmem>>
      %dma_wait3A_72 = arith.constant 0 : i32
      %dma_wait3A_73 = arith.constant 0 : i32
      %dma_wait3A_74 = tpu.memref_slice %arg15[%dma_wait3A_72, %dma_wait3A_73] : memref<64x128xf32, #tpu.memory_space<vmem_shared>> -> memref<64x128xf32, #tpu.memory_space<vmem_shared>>
      tpu.wait_indirect_dma semaphore(%run_scoped3A_62 : memref<!tpu.dma_semaphore, #tpu.memory_space<semaphore_mem>>) src(%arg11 : memref<80x128xf32, #tpu.memory_space<vmem>>) dst(%dma_wait3A_74 : memref<64x128xf32, #tpu.memory_space<vmem_shared>>)
      tpu.yield
    }) : () -> ()
    %scan3A_49 = arith.constant 0 : i32
    %scan3A_50 = arith.constant 0 : i32
    %scan3A_51 = arith.constant 4 : i32
    %scan3A_52 = arith.addi %scan3A_50, %scan3A_51 : i32
    %scan3A_53 = arith.constant 1 : i32
    %scan3A_54 = scf.for %scan3A_62 = %scan3A_50 to %scan3A_52 step %scan3A_53 iter_args(%scan3A_63 = %scan3A_49) -> (i32)  : i32 {
      %mul3A_64 = arith.constant 32 : i32
      %mul3A_65 = arith.muli %scan3A_62, %mul3A_64 : i32
      %add3A_66 = arith.addi %mul3A_65, %add3A : i32
      %lt3A = arith.constant 125 : i32
      %lt3A_67 = arith.cmpi slt, %add3A_66, %lt3A : i32
      %convert_element_type3A_68 = arith.extui %lt3A_67 : i1 to i32
      %cond3A_69 = arith.constant 0 : i32
      %cond3A_70 = arith.cmpi ne, %convert_element_type3A_68, %cond3A_69 : i32
      scf.if %cond3A_70 {
        %mul3A_72 = arith.constant 80 : i32
        %mul3A_73 = arith.muli %add3A_66, %mul3A_72 : i32
        %multiple_of3A_74 = tpu.assume_multiple %mul3A_73, 8 : i32
        "tpu.region"() ({
          %run_scoped3A_75 = tpu.sem_alloc : memref<!tpu.dma_semaphore, #tpu.memory_space<semaphore_mem>>
          %dma_start3A_76 = tpu.memref_slice %arg5[%multiple_of3A_74] : memref<10000xi32, #tpu.memory_space<hbm>> -> memref<80xi32, #tpu.memory_space<hbm>>
          %dma_start3A_77 = tpu.memref_slice %arg5[%multiple_of3A_74] : memref<10000xi32, #tpu.memory_space<hbm>> -> memref<80xi32, #tpu.memory_space<hbm>>
          tpu.enqueue_dma source(%dma_start3A_77 : memref<80xi32, #tpu.memory_space<hbm>>) target(%arg10 : memref<80xi32, #tpu.memory_space<vmem>>) target_semaphore(%run_scoped3A_75 : memref<!tpu.dma_semaphore, #tpu.memory_space<semaphore_mem>>)
          %dma_wait3A_78 = tpu.memref_slice %arg5[%multiple_of3A_74] : memref<10000xi32, #tpu.memory_space<hbm>> -> memref<80xi32, #tpu.memory_space<hbm>>
          %dma_wait3A_79 = tpu.memref_slice %arg5[%multiple_of3A_74] : memref<10000xi32, #tpu.memory_space<hbm>> -> memref<80xi32, #tpu.memory_space<hbm>>
          tpu.wait_dma2 semaphore(%run_scoped3A_75 : memref<!tpu.dma_semaphore, #tpu.memory_space<semaphore_mem>>) src(%dma_wait3A_79 : memref<80xi32, #tpu.memory_space<hbm>>) dst(%arg10 : memref<80xi32, #tpu.memory_space<vmem>>)
          tpu.yield
        }) : () -> ()
        "tpu.region"() ({
          %run_scoped3A_75 = tpu.sem_alloc : memref<!tpu.dma_semaphore, #tpu.memory_space<semaphore_mem>>
          %dma_start3A_76 = arith.constant 0 : i32
          %dma_start3A_77 = tpu.memref_slice %arg2[%multiple_of3A_74, %dma_start3A_76] : memref<10000x128xf32, #tpu.memory_space<hbm>> -> memref<80x128xf32, #tpu.memory_space<hbm>>
          %dma_start3A_78 = arith.constant 0 : i32
          %dma_start3A_79 = tpu.memref_slice %arg2[%multiple_of3A_74, %dma_start3A_78] : memref<10000x128xf32, #tpu.memory_space<hbm>> -> memref<80x128xf32, #tpu.memory_space<hbm>>
          tpu.enqueue_dma source(%dma_start3A_79 : memref<80x128xf32, #tpu.memory_space<hbm>>) target(%arg11 : memref<80x128xf32, #tpu.memory_space<vmem>>) target_semaphore(%run_scoped3A_75 : memref<!tpu.dma_semaphore, #tpu.memory_space<semaphore_mem>>)
          %dma_wait3A_80 = arith.constant 0 : i32
          %dma_wait3A_81 = tpu.memref_slice %arg2[%multiple_of3A_74, %dma_wait3A_80] : memref<10000x128xf32, #tpu.memory_space<hbm>> -> memref<80x128xf32, #tpu.memory_space<hbm>>
          %dma_wait3A_82 = arith.constant 0 : i32
          %dma_wait3A_83 = tpu.memref_slice %arg2[%multiple_of3A_74, %dma_wait3A_82] : memref<10000x128xf32, #tpu.memory_space<hbm>> -> memref<80x128xf32, #tpu.memory_space<hbm>>
          tpu.wait_dma2 semaphore(%run_scoped3A_75 : memref<!tpu.dma_semaphore, #tpu.memory_space<semaphore_mem>>) src(%dma_wait3A_83 : memref<80x128xf32, #tpu.memory_space<hbm>>) dst(%arg11 : memref<80x128xf32, #tpu.memory_space<vmem>>)
          tpu.yield
        }) : () -> ()
        "tpu.region"() ({
          %run_scoped3A_75 = tpu.sem_alloc : memref<!tpu.dma_semaphore, #tpu.memory_space<semaphore_mem>>
          %dma_start3A_76 = arith.constant 0 : i32
          %dma_start3A_77 = arith.constant 0 : i32
          %dma_start3A_78 = tpu.memref_slice %arg15[%dma_start3A_76, %dma_start3A_77] : memref<64x128xf32, #tpu.memory_space<vmem_shared>> -> memref<64x128xf32, #tpu.memory_space<vmem_shared>>
          tpu.enqueue_indirect_dma source(%arg11 : memref<80x128xf32, #tpu.memory_space<vmem>>) target(%dma_start3A_78 : memref<64x128xf32, #tpu.memory_space<vmem_shared>>) offsets(%arg10 : memref<80xi32, #tpu.memory_space<vmem>>) semaphore(%run_scoped3A_75 : memref<!tpu.dma_semaphore, #tpu.memory_space<semaphore_mem>>) {add = true}
          %dma_wait3A_79 = arith.constant 0 : i32
          %dma_wait3A_80 = arith.constant 0 : i32
          %dma_wait3A_81 = tpu.memref_slice %arg15[%dma_wait3A_79, %dma_wait3A_80] : memref<64x128xf32, #tpu.memory_space<vmem_shared>> -> memref<64x128xf32, #tpu.memory_space<vmem_shared>>
          tpu.wait_indirect_dma semaphore(%run_scoped3A_75 : memref<!tpu.dma_semaphore, #tpu.memory_space<semaphore_mem>>) src(%arg11 : memref<80x128xf32, #tpu.memory_space<vmem>>) dst(%dma_wait3A_81 : memref<64x128xf32, #tpu.memory_space<vmem_shared>>)
          tpu.yield
        }) : () -> ()
        "tpu.region"() ({
          %run_scoped3A_75 = tpu.sem_alloc : memref<!tpu.dma_semaphore, #tpu.memory_space<semaphore_mem>>
          %dma_start3A_76 = arith.constant 0 : i32
          %dma_start3A_77 = arith.constant 0 : i32
          %dma_start3A_78 = tpu.memref_slice %arg16[%dma_start3A_76, %dma_start3A_77] : memref<64x128xf32, #tpu.memory_space<vmem_shared>> -> memref<64x128xf32, #tpu.memory_space<vmem_shared>>
          tpu.enqueue_indirect_dma source(%arg13 : memref<80x128xf32, #tpu.memory_space<vmem>>) target(%dma_start3A_78 : memref<64x128xf32, #tpu.memory_space<vmem_shared>>) offsets(%arg10 : memref<80xi32, #tpu.memory_space<vmem>>) semaphore(%run_scoped3A_75 : memref<!tpu.dma_semaphore, #tpu.memory_space<semaphore_mem>>) {add = true}
          %dma_wait3A_79 = arith.constant 0 : i32
          %dma_wait3A_80 = arith.constant 0 : i32
          %dma_wait3A_81 = tpu.memref_slice %arg16[%dma_wait3A_79, %dma_wait3A_80] : memref<64x128xf32, #tpu.memory_space<vmem_shared>> -> memref<64x128xf32, #tpu.memory_space<vmem_shared>>
          tpu.wait_indirect_dma semaphore(%run_scoped3A_75 : memref<!tpu.dma_semaphore, #tpu.memory_space<semaphore_mem>>) src(%arg13 : memref<80x128xf32, #tpu.memory_space<vmem>>) dst(%dma_wait3A_81 : memref<64x128xf32, #tpu.memory_space<vmem_shared>>)
          tpu.yield
        }) : () -> ()
      } else {
      }
      %scan3A_71 = arith.constant 0 : i32
      scf.yield %scan3A_71 : i32
    }
    %scan3A_55 = arith.constant 4 : i32
    %barrier3A_56 = arith.constant 0 : index
    tpu.barrier barrier_id(%barrier3A_56)
    %eq3A_57 = arith.constant 0 : i32
    %eq3A_58 = arith.cmpi eq, %arg1, %eq3A_57 : i32
    %convert_element_type3A_59 = arith.extui %eq3A_58 : i1 to i32
    %cond3A_60 = arith.constant 0 : i32
    %cond3A_61 = arith.cmpi ne, %convert_element_type3A_59, %cond3A_60 : i32
    scf.if %cond3A_61 {
      "tpu.region"() ({
        %run_scoped3A_62 = tpu.sem_alloc : memref<!tpu.dma_semaphore, #tpu.memory_space<semaphore_mem>>
        %dma_start3A_63 = arith.constant 0 : i32
        %dma_start3A_64 = arith.constant 0 : i32
        %dma_start3A_65 = tpu.memref_slice %arg6[%arg0, %dma_start3A_63, %dma_start3A_64] : memref<2x64x128xf32, #tpu.memory_space<hbm>> -> memref<1x64x128xf32, #tpu.memory_space<hbm>>
        %dma_start3A_66 = tpu.memref_squeeze %dma_start3A_65 : memref<1x64x128xf32, #tpu.memory_space<hbm>> -> memref<64x128xf32, #tpu.memory_space<hbm>>
        tpu.enqueue_dma source(%arg15 : memref<64x128xf32, #tpu.memory_space<vmem_shared>>) target(%dma_start3A_66 : memref<64x128xf32, #tpu.memory_space<hbm>>) target_semaphore(%run_scoped3A_62 : memref<!tpu.dma_semaphore, #tpu.memory_space<semaphore_mem>>)
        %dma_wait3A_67 = arith.constant 0 : i32
        %dma_wait3A_68 = arith.constant 0 : i32
        %dma_wait3A_69 = tpu.memref_slice %arg6[%arg0, %dma_wait3A_67, %dma_wait3A_68] : memref<2x64x128xf32, #tpu.memory_space<hbm>> -> memref<1x64x128xf32, #tpu.memory_space<hbm>>
        %dma_wait3A_70 = tpu.memref_squeeze %dma_wait3A_69 : memref<1x64x128xf32, #tpu.memory_space<hbm>> -> memref<64x128xf32, #tpu.memory_space<hbm>>
        tpu.wait_dma2 semaphore(%run_scoped3A_62 : memref<!tpu.dma_semaphore, #tpu.memory_space<semaphore_mem>>) src(%arg15 : memref<64x128xf32, #tpu.memory_space<vmem_shared>>) dst(%dma_wait3A_70 : memref<64x128xf32, #tpu.memory_space<hbm>>)
        tpu.yield
      }) : () -> ()
      "tpu.region"() ({
        %run_scoped3A_62 = tpu.sem_alloc : memref<!tpu.dma_semaphore, #tpu.memory_space<semaphore_mem>>
        %dma_start3A_63 = arith.constant 0 : i32
        %dma_start3A_64 = arith.constant 0 : i32
        %dma_start3A_65 = tpu.memref_slice %arg7[%arg0, %dma_start3A_63, %dma_start3A_64] : memref<2x64x128xf32, #tpu.memory_space<hbm>> -> memref<1x64x128xf32, #tpu.memory_space<hbm>>
        %dma_start3A_66 = tpu.memref_squeeze %dma_start3A_65 : memref<1x64x128xf32, #tpu.memory_space<hbm>> -> memref<64x128xf32, #tpu.memory_space<hbm>>
        tpu.enqueue_dma source(%arg16 : memref<64x128xf32, #tpu.memory_space<vmem_shared>>) target(%dma_start3A_66 : memref<64x128xf32, #tpu.memory_space<hbm>>) target_semaphore(%run_scoped3A_62 : memref<!tpu.dma_semaphore, #tpu.memory_space<semaphore_mem>>)
        %dma_wait3A_67 = arith.constant 0 : i32
        %dma_wait3A_68 = arith.constant 0 : i32
        %dma_wait3A_69 = tpu.memref_slice %arg7[%arg0, %dma_wait3A_67, %dma_wait3A_68] : memref<2x64x128xf32, #tpu.memory_space<hbm>> -> memref<1x64x128xf32, #tpu.memory_space<hbm>>
        %dma_wait3A_70 = tpu.memref_squeeze %dma_wait3A_69 : memref<1x64x128xf32, #tpu.memory_space<hbm>> -> memref<64x128xf32, #tpu.memory_space<hbm>>
        tpu.wait_dma2 semaphore(%run_scoped3A_62 : memref<!tpu.dma_semaphore, #tpu.memory_space<semaphore_mem>>) src(%arg16 : memref<64x128xf32, #tpu.memory_space<vmem_shared>>) dst(%dma_wait3A_70 : memref<64x128xf32, #tpu.memory_space<hbm>>)
        tpu.yield
      }) : () -> ()
    } else {
    }
    return
  }
}

module attributes {stable_mosaic.version = 14 : i64} {
  func.func @_combine_body(%arg0: memref<2x64x128xf32, #tpu.memory_space<vmem>>, %arg1: memref<64x128xf32, #tpu.memory_space<vmem>>, %arg2: memref<2x64x128xf32, #tpu.memory_space<vmem>>, %arg3: memref<64x128xf32, #tpu.memory_space<vmem>>) attributes {dimension_semantics = [], scalar_prefetch = 0 : i64, scratch_operands = 0 : i64, tpu.core_type = #tpu.core_type<tc>} {
    %get3A = arith.constant 0 : index
    %get3A_0 = arith.constant 0 : index
    %get3A_1 = arith.constant 0 : index
    %get3A_2 = vector.load %arg0[%get3A, %get3A_0, %get3A_1] : memref<2x64x128xf32, #tpu.memory_space<vmem>>, vector<1x64x128xf32>
    %get3A_3 = vector.shape_cast %get3A_2 : vector<1x64x128xf32> to vector<64x128xf32>
    %get3A_4 = arith.constant 1 : index
    %get3A_5 = arith.constant 0 : index
    %get3A_6 = arith.constant 0 : index
    %get3A_7 = vector.load %arg0[%get3A_4, %get3A_5, %get3A_6] : memref<2x64x128xf32, #tpu.memory_space<vmem>>, vector<1x64x128xf32>
    %get3A_8 = vector.shape_cast %get3A_7 : vector<1x64x128xf32> to vector<64x128xf32>
    %add3A = arith.addf %get3A_3, %get3A_8 : vector<64x128xf32>
    %get3A_9 = arith.constant 0 : index
    %get3A_10 = arith.constant 0 : index
    %get3A_11 = vector.load %arg1[%get3A_9, %get3A_10] : memref<64x128xf32, #tpu.memory_space<vmem>>, vector<64x128xf32>
    %add3A_12 = arith.addf %add3A, %get3A_11 : vector<64x128xf32>
    %get3A_13 = arith.constant 0 : index
    %get3A_14 = arith.constant 0 : index
    %get3A_15 = arith.constant 0 : index
    %get3A_16 = vector.load %arg2[%get3A_13, %get3A_14, %get3A_15] : memref<2x64x128xf32, #tpu.memory_space<vmem>>, vector<1x64x1xf32>
    %get3A_17 = vector.shape_cast %get3A_16 : vector<1x64x1xf32> to vector<64x1xf32>
    %get3A_18 = arith.constant 1 : index
    %get3A_19 = arith.constant 0 : index
    %get3A_20 = arith.constant 0 : index
    %get3A_21 = vector.load %arg2[%get3A_18, %get3A_19, %get3A_20] : memref<2x64x128xf32, #tpu.memory_space<vmem>>, vector<1x64x1xf32>
    %get3A_22 = vector.shape_cast %get3A_21 : vector<1x64x1xf32> to vector<64x1xf32>
    %add3A_23 = arith.addf %get3A_17, %get3A_22 : vector<64x1xf32>
    %max3A = arith.constant 1.000000e+00 : f32
    %max3A_24 = vector.broadcast %max3A : f32 to vector<64x1xf32>
    %max3A_25 = arith.maximumf %add3A_23, %max3A_24 : vector<64x1xf32>
    %div3A = vector.broadcast %max3A_25 : vector<64x1xf32> to vector<64x128xf32>
    %div3A_26 = arith.divf %add3A_12, %div3A : vector<64x128xf32>
    %swap3A = arith.constant 0 : index
    %swap3A_27 = arith.constant 0 : index
    %swap3A_28 = vector.load %arg3[%swap3A, %swap3A_27] : memref<64x128xf32, #tpu.memory_space<vmem>>, vector<64x128xf32>
    tpu.vector_store %arg3[%swap3A, %swap3A_27], %div3A_26 {strides = array<i32>} : memref<64x128xf32, #tpu.memory_space<vmem>>, vector<64x128xf32>,
    return
  }
}

module attributes {stable_mosaic.version = 14 : i64} {
  func.func @_tc_onehot_body(%arg0: i32, %arg1: memref<1x1x4000xi32, #tpu.memory_space<vmem>>, %arg2: memref<4000x128xf32, #tpu.memory_space<vmem>>, %arg3: memref<64x128xf32, #tpu.memory_space<vmem>>) attributes {dimension_semantics = [#tpu.dimension_semantics<arbitrary>], iteration_bounds = array<i64: 80>, scalar_prefetch = 0 : i64, scratch_operands = 0 : i64, tpu.core_type = #tpu.core_type<tc>, window_params = [{transform_indices = @transform_0, window_bounds = array<i64: 1, 1, 4000>}, {transform_indices = @transform_1, window_bounds = array<i64: 4000, 128>}, {pipeline_mode = #tpu.pipeline_mode<synchronous>, transform_indices = @transform_2, window_bounds = array<i64: 64, 128>}]} {
    %get3A = arith.constant 0 : index
    %get3A_0 = arith.constant 0 : index
    %get3A_1 = arith.constant 0 : index
    %get3A_2 = vector.load %arg1[%get3A, %get3A_0, %get3A_1] : memref<1x1x4000xi32, #tpu.memory_space<vmem>>, vector<1x1x4000xi32>
    %get3A_3 = vector.shape_cast %get3A_2 : vector<1x1x4000xi32> to vector<1x4000xi32>
    %iota3A = tpu.iota {dimensions = array<i32: 0>} : vector<64x4000xi32>
    %eq3A = vector.broadcast %get3A_3 : vector<1x4000xi32> to vector<64x4000xi32>
    %eq3A_4 = arith.cmpi eq, %eq3A, %iota3A : vector<64x4000xi32>
    %convert_element_type3A = arith.extui %eq3A_4 : vector<64x4000xi1> to vector<64x4000xi32>
    %convert_element_type3A_5 = arith.sitofp %convert_element_type3A : vector<64x4000xi32> to vector<64x4000xf32>
    %get3A_6 = arith.constant 0 : index
    %get3A_7 = arith.constant 0 : index
    %get3A_8 = vector.load %arg2[%get3A_6, %get3A_7] : memref<4000x128xf32, #tpu.memory_space<vmem>>, vector<4000x128xf32>
    %dot_general3A = arith.constant dense<0.000000e+00> : vector<64x128xf32>
    %dot_general3A_9 = tpu.matmul %convert_element_type3A_5, %get3A_8, %dot_general3A {dimension_numbers = #tpu.dot_dimension_numbers<[1], [0], [0], [1], [0, 0, 1, 1], [], []>, precision = #tpu.contract_precision<fp32>, transpose_lhs_hint = false} : vector<64x4000xf32>, vector<4000x128xf32>, vector<64x128xf32> -> vector<64x128xf32>
    %eq3A_10 = arith.constant 0 : i32
    %eq3A_11 = arith.cmpi eq, %arg0, %eq3A_10 : i32
    %convert_element_type3A_12 = arith.extui %eq3A_11 : i1 to i32
    %cond3A = arith.constant 0 : i32
    %cond3A_13 = arith.cmpi ne, %convert_element_type3A_12, %cond3A : i32
    scf.if %cond3A_13 {
      %broadcast_in_dim3A = arith.constant 0.000000e+00 : f32
      %broadcast_in_dim3A_19 = vector.broadcast %broadcast_in_dim3A : f32 to vector<64x128xf32>
      %swap3A_20 = arith.constant 0 : index
      %swap3A_21 = arith.constant 0 : index
      %swap3A_22 = vector.load %arg3[%swap3A_20, %swap3A_21] : memref<64x128xf32, #tpu.memory_space<vmem>>, vector<64x128xf32>
      tpu.vector_store %arg3[%swap3A_20, %swap3A_21], %broadcast_in_dim3A_19 {strides = array<i32>} : memref<64x128xf32, #tpu.memory_space<vmem>>, vector<64x128xf32>,
    } else {
    }
    %get3A_14 = arith.constant 0 : index
    %get3A_15 = arith.constant 0 : index
    %get3A_16 = vector.load %arg3[%get3A_14, %get3A_15] : memref<64x128xf32, #tpu.memory_space<vmem>>, vector<64x128xf32>
    %add3A = arith.addf %get3A_16, %dot_general3A_9 : vector<64x128xf32>
    %swap3A = arith.constant 0 : index
    %swap3A_17 = arith.constant 0 : index
    %swap3A_18 = vector.load %arg3[%swap3A, %swap3A_17] : memref<64x128xf32, #tpu.memory_space<vmem>>, vector<64x128xf32>
    tpu.vector_store %arg3[%swap3A, %swap3A_17], %add3A {strides = array<i32>} : memref<64x128xf32, #tpu.memory_space<vmem>>, vector<64x128xf32>,
    return
  }
  func.func @transform_0(%arg0: i32) -> (i32, i32, i32) {
    %add3A = arith.constant 0 : i32
    %add3A_0 = arith.addi %arg0, %add3A : i32
    %c0_i32 = arith.constant 0 : i32
    %c0_i32_1 = arith.constant 0 : i32
    %c0_i32_2 = arith.constant 0 : i32
    return %add3A_0, %c0_i32, %c0_i32_1 : i32, i32, i32
  }
  func.func @transform_1(%arg0: i32) -> (i32, i32) {
    %add3A = arith.constant 0 : i32
    %add3A_0 = arith.addi %arg0, %add3A : i32
    %c0_i32 = arith.constant 0 : i32
    %c0_i32_1 = arith.constant 0 : i32
    return %add3A_0, %c0_i32 : i32, i32
  }
  func.func @transform_2(%arg0: i32) -> (i32, i32) {
    %c0_i32 = arith.constant 0 : i32
    %c0_i32_0 = arith.constant 0 : i32
    %c0_i32_1 = arith.constant 0 : i32
    return %c0_i32, %c0_i32_0 : i32, i32
  }
}

</mosaic_0001>

<sc_bundles>
// kernel: kernel.6.cloned.1.call-start
scs
__scs_entry_jumppad:
0x0: {  	(pc) =	sbr.rel $0x88, $3  }
0x1: {  	(tag) =	ssettag $0x0;
	lr =	simm.s32 $0x1  }
0x2: {  	[smem:$0x3F9B] =	sst lr;
	_ =	strace $0xD0000000  }
0x3: {  	_ = 	snop  }
0x4: {  	_ = 	snop  }
0x5: {  	_ = 	snop  }
0x6: {  	_ = 	snop  }
0x7: {  	_ = 	snop  }
__scs_overlays_trampoline_lowered:
0x8: {  	[smem:$0x3FAA] =	sst s0  }
0x9: {  	[smem:$0x3FAB] =	sst s1  }
0xa: {  	[smem:$0x3FAC] =	sst s2  }
0xb: {  	[smem:$0x3FAD] =	sst s3  }
0xc: {  	[smem:$0x3FAE] =	sst s4  }
0xd: {  	[smem:$0x3FAF] =	sst s5  }
0xe: {  	[smem:$0x3FB0] =	sst s6  }
0xf: {  	[smem:$0x3FB1] =	sst s7  }
0x10: {  	[smem:$0x3FB2] =	sst s8  }
0x11: {  	[smem:$0x3FB3] =	sst s9;
	s0 =	simm.s32 @!p0 $0x0  }
0x12: {  	s1 =	sld [smem:$0x3F99];
	s0 =	simm.s32 @p0 $0x1  }
0x13: {  	[smem:$0x3FB4] =	sst s0;
	s0 =	simm.s32 @!p1 $0x0  }
0x14: {  	s2 =	sld [smem:$0x3F98];
	s0 =	simm.s32 @p1 $0x1  }
0x15: {  	[smem:$0x3FB5] =	sst s0;
	s0 =	simm.s32 @!p2 $0x0  }
0x16: {  	s3 =	sld [smem:$0x3FDB];
	s0 =	simm.s32 @p2 $0x1  }
0x17: {  	s4 =	simm.s32 $0x1BF5;
	[smem:$0x3FB7] =	sst s0  }
0x18: {  	s0 =	sld [smem:$0x3F9A];
	_ =	swait.ge [sflag:s4], $0x0  }
0x19: {  	s7 =	sld [smem:$0x3F9B]  }
0x1a: {  	s8 =	sadd.s32 $0xFFFFE003, lr  }
0x1b: {  	s9 =	sadd.s32 $0xFFFFFEF7, lr;
	s5 =	simm.s32 $0xFFFFFFFF;
	p2 =	slt.u32 s8, $0xFFFFF086  }
0x1c: {  	p1 =	slt.u32 s9, $0xF7A;
	s5 =	simm.s32 @!p2 $0x0  }
0x1d: {  	s5 =	simm.s32 @p1 $0x1;
	p0 =	seq.s32 s7, s2  }
0x1e: {  	s7 =	smul.u32 @!p0 $0xF7A, s2;
	p2 =	seq.s32 @!p0 s5, $0x0  }
0x1f: {  	s9 =	smul.u32 $0xF7A, s1;
	s8 =	simm.s32 @!p0 $0x1BF5;
	p2 =	por !p2, p0  }
0x20: {  	[sflag:s8] =	ssyncset.s32 @!p0 $0xFFFFF086;
	s6 =	sadd.s32 @!p0 s3, s7;
	s7 =	simm.s32 @!p0 $0x108  }
0x21: {  	s3 =	sadd.s32 s3, s9;
	s6 =	sadd.s32 @!p0 $0x88, s6;
	s7 =	simm.s32 @p2 $0x1082  }
0x22: {  	[simem:s7], [sflag:s8] =	dma.local @!p0 [hbm:s6], $0xF7A  }
0x23: {  	s9 =	sor.u32 $0xD0000000, s2;
	s6 =	simm.s32 $0x108;
	_ =	swait.ge @!p0 [sflag:s8], $0x0  }
0x24: {  	s3 =	sadd.s32 $0x88, s3;
	s6 =	simm.s32 @!p1 $0x1082;
	[sflag:s4] =	ssyncset.s32 $0xFFFFF086  }
0x25: {  	[simem:s6], [sflag:s4] =	dma.local [hbm:s3], $0xF7A  }
0x26: {  	[smem:$0x3F9B] =	sst s1;
	(tag) =	ssettag s2;
	_ =	strace s9  }
0x27: {  	s1 =	sld [smem:$0x3FAB]  }
0x28: {  	s2 =	sld [smem:$0x3FAC]  }
0x29: {  	s4 =	sld [smem:$0x3FAE]  }
0x2a: {  	p0 =	seq.s32 s5, $0x0;
	s5 =	sld [smem:$0x3FAF]  }
0x2b: {  	s6 =	sld [smem:$0x3FB0]  }
0x2c: {  	s7 =	sld [smem:$0x3FB1]  }
0x2d: {  	s3 =	simm.s32 $0x108;
	s8 =	sld [smem:$0x3FB2]  }
0x2e: {  	s3 =	simm.s32 @!p0 $0x1082;
	s9 =	sld [smem:$0x3FB3]  }
0x2f: {  	lr =	sadd.s32 s0, s3;
	s0 =	sld [smem:$0x3FAA]  }
0x30: {  	s3 =	sld [smem:$0x3FAD]  }
0x31: {  	[smem:$0x3FB6] =	sst s10  }
0x32: {  	s10 =	sld [smem:$0x3FB4];
	_ =	sdelay $0x3  }
0x33: {  	p0 =	seq.s32 s10, $0x1;
	s10 =	sld [smem:$0x3FB6];
	_ =	sdelay $0x3  }
0x34: {  	[smem:$0x3FB6] =	sst s10  }
0x35: {  	s10 =	sld [smem:$0x3FB5];
	_ =	sdelay $0x3  }
0x36: {  	p1 =	seq.s32 s10, $0x1;
	s10 =	sld [smem:$0x3FB6];
	_ =	sdelay $0x3  }
0x37: {  	[smem:$0x3FB6] =	sst s10  }
0x38: {  	s10 =	sld [smem:$0x3FB7]  }
0x39: {  	_ = 	snop;
	(pc) =	sbr.ind lr, $3  }
0x3a: {  	_ = 	snop  }
0x3b: {  	_ = 	snop  }
0x3c: {  	p2 =	seq.s32 s10, $0x1;
	s10 =	sld [smem:$0x3FB6]  }
0x3d: {  	_ =	shalt  }
0x3e: {  	_ =	shalt  }
0x3f: {  	_ =	shalt  }
0x40: {  	_ =	shalt  }
0x41: {  	_ =	shalt  }
0x42: {  	_ =	shalt  }
0x43: {  	_ =	shalt  }
0x44: {  	_ =	shalt  }
0x45: {  	_ =	shalt  }
0x46: {  	_ =	shalt  }
0x47: {  	_ =	shalt  }
0x48: {  	_ =	shalt  }
0x49: {  	_ =	shalt  }
0x4a: {  	_ =	shalt  }
0x4b: {  	_ =	shalt  }
0x4c: {  	_ =	shalt  }
0x4d: {  	_ =	shalt  }
0x4e: {  	_ =	shalt  }
0x4f: {  	_ =	shalt  }
0x50: {  	_ =	shalt  }
0x51: {  	_ =	shalt  }
0x52: {  	_ =	shalt  }
0x53: {  	_ =	shalt  }
0x54: {  	_ =	shalt  }
0x55: {  	_ =	shalt  }
0x56: {  	_ =	shalt  }
0x57: {  	_ =	shalt  }
0x58: {  	_ =	shalt  }
0x59: {  	_ =	shalt  }
0x5a: {  	_ =	shalt  }
0x5b: {  	_ =	shalt  }
0x5c: {  	_ =	shalt  }
0x5d: {  	_ =	shalt  }
0x5e: {  	_ =	shalt  }
0x5f: {  	_ =	shalt  }
0x60: {  	_ =	shalt  }
0x61: {  	_ =	shalt  }
0x62: {  	_ =	shalt  }
0x63: {  	_ =	shalt  }
0x64: {  	_ =	shalt  }
0x65: {  	_ =	shalt  }
0x66: {  	_ =	shalt  }
0x67: {  	_ =	shalt  }
0x68: {  	_ =	shalt  }
0x69: {  	_ =	shalt  }
0x6a: {  	_ =	shalt  }
0x6b: {  	_ =	shalt  }
0x6c: {  	_ =	shalt  }
0x6d: {  	_ =	shalt  }
0x6e: {  	_ =	shalt  }
0x6f: {  	_ =	shalt  }
0x70: {  	_ =	shalt  }
0x71: {  	_ =	shalt  }
0x72: {  	_ =	shalt  }
0x73: {  	_ =	shalt  }
0x74: {  	_ =	shalt  }
0x75: {  	_ =	shalt  }
0x76: {  	_ =	shalt  }
0x77: {  	_ =	shalt  }
0x78: {  	_ =	shalt  }
0x79: {  	_ =	shalt  }
0x7a: {  	_ =	shalt  }
0x7b: {  	_ =	shalt  }
0x7c: {  	_ =	shalt  }
0x7d: {  	_ =	shalt  }
0x7e: {  	_ =	shalt  }
0x7f: {  	_ =	shalt  }
0x80: {  	_ =	shalt  }
0x81: {  	_ =	shalt  }
0x82: {  	_ =	shalt  }
0x83: {  	_ =	shalt  }
0x84: {  	_ =	shalt  }
0x85: {  	_ =	shalt  }
0x86: {  	_ =	shalt  }
0x87: {  	_ =	shalt  }
.Lfunc_end0:
.L_simem_size_0:
called_computation_lowered:
.L_overlay_start_0:
0x88: {  	s2 =	sld [smem:$0x3FD9]  }
0x89: {  	s3 =	sld [smem:$0x3FFE];
	_ =	sdelay $0x1  }
0x8a: {  	s1 =	srdreg.scid  }
0x8b: {  	s0 =	sand.u32 $0x1, s1  }
0x8c: {  	s17 =	sshll.u32 s0, $0xA;
	s2 =	sadd.s32 s3, s2  }
0x8d: {  	s2 =	sadd.s32 s2, s17  }
0x8e: {  	[smem:$0x3FC2] =	sst s2  }
0x8f: {  	_ = 	snop  }
0x90: {  	s2 =	sld [smem:$0x3FC4];
	(tm) =	ssettm $0x1  }
0x91: {  	s18 =	sld [smem:$0x3FFB];
	_ =	sdelay $0x3  }
0x92: {  	_ =	strace s18  }
0x93: {  	s3 =	sld [smem:$0x3FFC];
	_ =	sdelay $0x3  }
0x94: {  	_ =	strace s3  }
0x95: {  	s3 =	sld [smem:$0x3FFD];
	_ =	sdelay $0x3  }
0x96: {  	_ =	strace s3  }
0x97: {  	_ =	strace $0x8FFFFFFF  }
0x98: {  	s19 =	sld [smem:$0x3FDB];
	_ =	sdelay $0x1  }
0x99: {  	s4 =	simm.s32 $_scs_section_size  }
0x9a: {  	s5 =	simm.s32 $_size__tile_overlayer_lowered;
	s6 =	simm.s32 $_tile_overlayer_lowered  }
0x9b: {  	s22 =	simm.s32 $0x1BFF;
	s21 =	sshll.u32 s6, $0x1;
	s3 =	sadd.s32 s4, s19  }
0x9c: {  	s7 =	simm.s32 $0x0;
	s20 =	sshll.u32 s5, $0x1;
	s5 =	sadd.s32 s21, s3  }
0x9d: {  	[timem:s7], [sflag:s22] =	dma.local [hbm:s5], s20  }
0x9e: {  	_ =	swait.ge [sflag:s22], s20  }
0x9f: {  	s4 =	ssub.s32 $0x0, s20;
	[sflag:s22] =	ssyncset.done $0x0  }
0xa0: {  	[sflag:s22] =	ssyncadd.s32 s4;
	_ =	sdelay $0x1  }
0xa1: {  	s23 =	simm.s32 $0x1B8B  }
0xa2: {  	_ =	swait.ge [sflag:s23], $0x1  }
0xa3: {  	[sflag:s23] =	ssyncset.done $0x0  }
0xa4: {  	s25 =	simm.s32 $0x1B8E;
	s24 =	sld [smem:$0x3FFE];
	[sflag:s23] =	ssyncadd.s32 $0xFFFFFFFF  }
0xa5: {  	s26 =	simm.s32 $execute0_lowered;
	[smem:$0x3FD2] =	sst s25  }
0xa6: {  	s5 =	sshll.u32 s26, $0x1;
	_ =	strace $0x80000046;
	[dreg:$0x1] =	wrdreg $0xFFFFFFFF  }
0xa7: {  	s28 =	simm.s32 $_size_execute0_lowered;
	s3 =	sadd.s32 s3, s5;
	[dreg:$0x0] =	wrdreg $0x0  }
0xa8: {  	s5 =	sshll.u32 s28, $0x1;
	[dreg:$0x2] =	wrdreg s3  }
0xa9: {  	[dreg:$0x3] =	wrdreg s5  }
0xaa: {  	[dreg:$0x4] =	wrdreg $0xC0  }
0xab: {  	_ =	task [dreg:s7], $0x5FFFF  }
0xac: {  	[dreg:$0x1] =	wrdreg $0xFFFFFFFF  }
0xad: {  	[dreg:$0x0] =	wrdreg $0x60  }
0xae: {  	[dreg:$0x2] =	wrdreg s24  }
0xaf: {  	[dreg:$0x3] =	wrdreg s2  }
0xb0: {  	[dreg:$0x4] =	wrdreg $0x9  }
0xb1: {  	_ =	task.clear_ibuf [dreg:s7], $0x5FFFF;
	_ =	strace $0x90000046  }
0xb2: {  	s29 =	simm.s32 $0x9;
	_ =	strace $0x80000048  }
0xb3: {  	_ =	swait.ge [sflag:s29], $0x1  }
0xb4: {  	[sflag:s29] =	ssyncadd.s32 $0xFFFFFFFF  }
0xb5: {  	_ =	strace $0x90000048  }
0xb6: {  	_ =	sfence  }
0xb7: {  	s30 =	sld [smem:$0x0];
	_ =	sdelay $0x2  }
0xb8: {  	s31 =	sshll.u32 s1, $0xD;
	s1 =	sshrl.u32 s1, $0x2  }
0xb9: {  	s3 =	sand.u32 $0x4000, s31;
	s1 =	sadd.s32 s1, s30  }
0xba: {  	s0 =	sor.u32 s3, s0;
	s1 =	sshll.u32 s1, $0x11  }
0xbb: {  	s0 =	sor.u32 s1, s0  }
0xbc: {  	s0 =	sadd.s32 $0x8F2B, s0  }
0xbd: {  	[sflag:s0] =	ssyncadd.remote.s32 $0x1  }
0xbe: {  	_ =	sfence.sel $0xFFFF  }
0xbf: {  	[dreg:$0x0] =	wrdreg $0xFFFFFFFF;
	(pc) =	sbr.abs _section_cstart, $3  }
0xc0: {  	[dreg:$0x1] =	wrdreg $0xFFFFFFFF  }
0xc1: {  	_ =	task.clear_ibuf [dreg:s7], $0x2FFFF;
	_ =	strace $0x9FFFFFFF  }
0xc2: {  	(tm) =	ssettm $0x7FFFFFFF  }
0xc3: {  	_ =	shalt  }
tec
execute0_lowered:
.L_overlay_start_1:
0x0: {  	(tag) =	ssettag $0x1  }
0x1: {  	s4 =	rddreg [dreg:$0x0];
	s1 =	srdreg.scid  }
0x2: {  	s0 =	stileid.u32;
	s2 =	rddreg [dreg:$0x1]  }
0x3: {  	s10 =	simm.s32 $0x2780;
	s5 =	sand.u32 $0x1, s1;
	s3 =	sshll.u32 s0, $0x1  }
0x4: {  	s11 =	simm.s32 $0x4F00;
	s1 =	rddreg [dreg:$0x2];
	s6 =	sor.u32 s5, s3  }
0x5: {  	s3 =	simm.s32 $0x0;
	s5 =	ssub.s32 $0x2, s5;
	s6 =	smul.u32 $0x4E2, s6  }
0x6: {  	s12 =	simm.s32 $0x0;
	[smem:$0x7FF] =	sst s3;
	s7 =	sshrl.u32 s5, $0x1  }
0x7: {  	_ =	strace $0x80000047;
	s9 =	ssub.s32 s5, s7;
	s8 =	sadd.s32 s6, s4  }
0x8: {  	s4 =	sadd.s32 $0xAC00, s8;
	s5 =	sadd.s32 $0x1E800, s8;
	s6 =	sadd.s32 $0xE00, s8  }
0x9: {  	s7 =	sadd.s32 $0x14A00, s8;
	s8 =	smax.u32 s9, $0x1;
	s9 =	simm.s32 $0x1  }
.LBB2_1:
0xa: {  	[tilespmem:s3], [sflag:$0x1] =	stream.linear.gather [hbm4b:s2+s3], $0x2780, $0x38;
	[tilespmem:$0x7680] =	vst v63  }
0xb: {  	_ =	swait.ge [sflag:s9], $0x2780  }
0xc: {  	[sflag:s9] =	ssyncset.done $0x0  }
0xd: {  	[sflag:s9] =	ssyncadd.s32 $0xFFFFD880  }
0xe: {  	[tilespmem:s10], [sflag:$0x1] =	stream.linear.gather [hbm4b:s4+s3], $0x2710, $0x38;
	[tilespmem:$0x7680] =	vst v63  }
0xf: {  	_ =	swait.ge [sflag:s9], $0x2710  }
0x10: {  	[sflag:s9] =	ssyncset.done $0x0  }
0x11: {  	s13 =	simm.s32 $0x0;
	[sflag:s9] =	ssyncadd.s32 $0xFFFFD8F0  }
0x12: {  	v0 =	vld [tilespmem:s13+$0x2780];
	_ =	sdelay $0x7  }
0x13: {  	s14 =	simm.s32 $0x10;
	s15 =	simm.s32 $0x80;
	v0 =	vld.idx.msk [tilespmem:v0+s3+$0x0], $0xffff  }
.LBB2_2:
0x14: {  	p0 =	sne.s32 s15, $0x9C00;
	v1 =	vld [tilespmem:s14+$0x2780];
	_ =	sdelay $0x3  }
.Ltmp0:
0x15: {  	(pc) =	sbr.rel @p0 .LBB2_2-.Ltmp0, $2  }
0x16: {  	[tilespmem:s13+$0x4F00] =	vst v0;
	s13 =	smov.u32 s14;
	_ =	sdelay $0x2  }
0x17: {  	s14 =	sshra.s32 s15, $0x2;
	s15 =	sadd.s32 $0x40, s15;
	v0 =	vld.idx.msk [tilespmem:v1+s3+$0x0], $0xffff  }
0x18: {  	v1 =	vld [tilespmem:s14+$0x2780];
	_ =	sdelay $0x6  }
0x19: {  	[tilespmem:s13+$0x4F00] =	vst v0  }
0x1a: {  	v0 =	vld.idx.msk [tilespmem:v1+s3+$0x0], $0xffff;
	_ =	sdelay $0x4  }
0x1b: {  	s31 =	simm.s32 $0x0;
	[tilespmem:s14+$0x4F00] =	vst v0  }
0x1c: {  	[hbm4b:s5+s31] =	stream.linear.scatter [tilespmem:s11], [sflag:$0x1], $0x2710, $0x38;
	[tilespmem:$0x7680] =	vst v63  }
0x1d: {  	_ =	swait.ge [sflag:s9], $0x2710  }
0x1e: {  	[sflag:s9] =	ssyncset.done $0x0  }
0x1f: {  	[sflag:s9] =	ssyncadd.s32 $0xFFFFD8F0  }
0x20: {  	[tilespmem:s10], [sflag:$0x1] =	stream.linear.gather [hbm4b:s6+s31], $0x2710, $0x38;
	[tilespmem:$0x7680] =	vst v63  }
0x21: {  	_ =	swait.ge [sflag:s9], $0x2710  }
0x22: {  	[sflag:s9] =	ssyncset.done $0x0  }
0x23: {  	s13 =	simm.s32 $0x0;
	[sflag:s9] =	ssyncadd.s32 $0xFFFFD8F0  }
0x24: {  	v0 =	vld [tilespmem:s13+$0x2780];
	_ =	sdelay $0x7  }
0x25: {  	s15 =	simm.s32 $0x80;
	s14 =	simm.s32 $0x10;
	v0 =	vld.idx.msk [tilespmem:v0+s3+$0x0], $0xffff  }
.LBB2_4:
0x26: {  	p0 =	sne.s32 s15, $0x9C00;
	v1 =	vld [tilespmem:s14+$0x2780];
	_ =	sdelay $0x3  }
.Ltmp1:
0x27: {  	(pc) =	sbr.rel @p0 .LBB2_4-.Ltmp1, $2  }
0x28: {  	[tilespmem:s13+$0x4F00] =	vst v0;
	s13 =	smov.u32 s14;
	_ =	sdelay $0x2  }
0x29: {  	s14 =	sshra.s32 s15, $0x2;
	s15 =	sadd.s32 $0x40, s15;
	v0 =	vld.idx.msk [tilespmem:v1+s3+$0x0], $0xffff  }
0x2a: {  	v1 =	vld [tilespmem:s14+$0x2780];
	_ =	sdelay $0x6  }
0x2b: {  	[tilespmem:s13+$0x4F00] =	vst v0  }
0x2c: {  	v0 =	vld.idx.msk [tilespmem:v1+s3+$0x0], $0xffff;
	_ =	sdelay $0x2  }
0x2d: {  	s12 =	sadd.s32 $0x1, s12  }
0x2e: {  	p0 =	sne.s32 s12, s8  }
.Ltmp2:
0x2f: {  	[tilespmem:s14+$0x4F00] =	vst v0;
	(pc) =	sbr.rel @p0 .LBB2_1-.Ltmp2, $4  }
0x30: {  	[hbm4b:s7+s3] =	stream.linear.scatter [tilespmem:s11], [sflag:$0x1], $0x2710, $0x38;
	[tilespmem:$0x7680] =	vst v63  }
0x31: {  	_ =	swait.ge [sflag:s9], $0x2710  }
0x32: {  	[sflag:s9] =	ssyncset.done $0x0  }
0x33: {  	[sflag:s9] =	ssyncadd.s32 $0xFFFFD8F0  }
0x34: {  	_ =	sfence.sel $0x180000  }
0x35: {  	[bflag:$0x0] =	sbarrier.arrive $0xFFFF  }
0x36: {  	p0 =	sne.s32 s0, $0x0;
	_ =	strace $0x90000047  }
0x37: {  	s0 =	sadd.s32 @!p0 $0x100000, s1;
	[bflag:$0x2] =	sbarrier.arrive $0xFFFF  }
0x38: {  	[sflag:s0] =	ssyncadd.tile.s32 @!p0 $0x1;
	_ =	shalt  }
.Lfunc_end2:
_tile_overlayer_lowered:
.L_overlay_start_2:
0x39: {  	(tag) =	ssettag $0x2  }
0x3a: {  	s0 =	rddreg [dreg:$0x0];
	s2 =	stileid.u32  }
0x3b: {  	s1 =	rddreg [dreg:$0x1];
	p0 =	sne.s32 s2, $0x0  }
0x3c: {  	s3 =	rddreg [dreg:$0x2];
	[bflag:$0x3] =	sbarrier.arrive $0xFFFF;
	s2 =	simm.s32 @!p0 $0x1C01  }
0x3d: {  	[timem:s3], [sflag:s2] =	dma.local @!p0 [hbm:s0], s1  }
0x3e: {  	s0 =	simm.s32 @!p0 $0x1  }
0x3f: {  	_ =	swait.ge @!p0 [sflag:s0], s1  }
0x40: {  	s1 =	ssub.s32 @!p0 $0x0, s1;
	[sflag:s0] =	ssyncset.done @!p0 $0x0  }
0x41: {  	[sflag:s0] =	ssyncadd.s32 @!p0 s1  }
0x42: {  	[bflag:$0x3] =	sbarrier.arrive $0xFFFF  }
0x43: {  	_ =	shalt  }

// kernel: kernel.9.cloned.1.call-start
scs
__scs_entry_jumppad:
0x0: {  	(pc) =	sbr.rel $0x88, $3  }
0x1: {  	(tag) =	ssettag $0x0;
	lr =	simm.s32 $0x1  }
0x2: {  	[smem:$0x3F9B] =	sst lr;
	_ =	strace $0xD0000000  }
0x3: {  	_ = 	snop  }
0x4: {  	_ = 	snop  }
0x5: {  	_ = 	snop  }
0x6: {  	_ = 	snop  }
0x7: {  	_ = 	snop  }
__scs_overlays_trampoline_lowered:
0x8: {  	[smem:$0x3FAA] =	sst s0  }
0x9: {  	[smem:$0x3FAB] =	sst s1  }
0xa: {  	[smem:$0x3FAC] =	sst s2  }
0xb: {  	[smem:$0x3FAD] =	sst s3  }
0xc: {  	[smem:$0x3FAE] =	sst s4  }
0xd: {  	[smem:$0x3FAF] =	sst s5  }
0xe: {  	[smem:$0x3FB0] =	sst s6  }
0xf: {  	[smem:$0x3FB1] =	sst s7  }
0x10: {  	[smem:$0x3FB2] =	sst s8  }
0x11: {  	[smem:$0x3FB3] =	sst s9;
	s0 =	simm.s32 @!p0 $0x0  }
0x12: {  	s1 =	sld [smem:$0x3F99];
	s0 =	simm.s32 @p0 $0x1  }
0x13: {  	[smem:$0x3FB4] =	sst s0;
	s0 =	simm.s32 @!p1 $0x0  }
0x14: {  	s2 =	sld [smem:$0x3F98];
	s0 =	simm.s32 @p1 $0x1  }
0x15: {  	[smem:$0x3FB5] =	sst s0;
	s0 =	simm.s32 @!p2 $0x0  }
0x16: {  	s3 =	sld [smem:$0x3FDB];
	s0 =	simm.s32 @p2 $0x1  }
0x17: {  	s4 =	simm.s32 $0x1BF5;
	[smem:$0x3FB7] =	sst s0  }
0x18: {  	s0 =	sld [smem:$0x3F9A];
	_ =	swait.ge [sflag:s4], $0x0  }
0x19: {  	s7 =	sld [smem:$0x3F9B]  }
0x1a: {  	s8 =	sadd.s32 $0xFFFFE003, lr  }
0x1b: {  	s9 =	sadd.s32 $0xFFFFFEF7, lr;
	s5 =	simm.s32 $0xFFFFFFFF;
	p2 =	slt.u32 s8, $0xFFFFF086  }
0x1c: {  	p1 =	slt.u32 s9, $0xF7A;
	s5 =	simm.s32 @!p2 $0x0  }
0x1d: {  	s5 =	simm.s32 @p1 $0x1;
	p0 =	seq.s32 s7, s2  }
0x1e: {  	s7 =	smul.u32 @!p0 $0xF7A, s2;
	p2 =	seq.s32 @!p0 s5, $0x0  }
0x1f: {  	s9 =	smul.u32 $0xF7A, s1;
	s8 =	simm.s32 @!p0 $0x1BF5;
	p2 =	por !p2, p0  }
0x20: {  	[sflag:s8] =	ssyncset.s32 @!p0 $0xFFFFF086;
	s6 =	sadd.s32 @!p0 s3, s7;
	s7 =	simm.s32 @!p0 $0x108  }
0x21: {  	s3 =	sadd.s32 s3, s9;
	s6 =	sadd.s32 @!p0 $0x88, s6;
	s7 =	simm.s32 @p2 $0x1082  }
0x22: {  	[simem:s7], [sflag:s8] =	dma.local @!p0 [hbm:s6], $0xF7A  }
0x23: {  	s9 =	sor.u32 $0xD0000000, s2;
	s6 =	simm.s32 $0x108;
	_ =	swait.ge @!p0 [sflag:s8], $0x0  }
0x24: {  	s3 =	sadd.s32 $0x88, s3;
	s6 =	simm.s32 @!p1 $0x1082;
	[sflag:s4] =	ssyncset.s32 $0xFFFFF086  }
0x25: {  	[simem:s6], [sflag:s4] =	dma.local [hbm:s3], $0xF7A  }
0x26: {  	[smem:$0x3F9B] =	sst s1;
	(tag) =	ssettag s2;
	_ =	strace s9  }
0x27: {  	s1 =	sld [smem:$0x3FAB]  }
0x28: {  	s2 =	sld [smem:$0x3FAC]  }
0x29: {  	s4 =	sld [smem:$0x3FAE]  }
0x2a: {  	p0 =	seq.s32 s5, $0x0;
	s5 =	sld [smem:$0x3FAF]  }
0x2b: {  	s6 =	sld [smem:$0x3FB0]  }
0x2c: {  	s7 =	sld [smem:$0x3FB1]  }
0x2d: {  	s3 =	simm.s32 $0x108;
	s8 =	sld [smem:$0x3FB2]  }
0x2e: {  	s3 =	simm.s32 @!p0 $0x1082;
	s9 =	sld [smem:$0x3FB3]  }
0x2f: {  	lr =	sadd.s32 s0, s3;
	s0 =	sld [smem:$0x3FAA]  }
0x30: {  	s3 =	sld [smem:$0x3FAD]  }
0x31: {  	[smem:$0x3FB6] =	sst s10  }
0x32: {  	s10 =	sld [smem:$0x3FB4];
	_ =	sdelay $0x3  }
0x33: {  	p0 =	seq.s32 s10, $0x1;
	s10 =	sld [smem:$0x3FB6];
	_ =	sdelay $0x3  }
0x34: {  	[smem:$0x3FB6] =	sst s10  }
0x35: {  	s10 =	sld [smem:$0x3FB5];
	_ =	sdelay $0x3  }
0x36: {  	p1 =	seq.s32 s10, $0x1;
	s10 =	sld [smem:$0x3FB6];
	_ =	sdelay $0x3  }
0x37: {  	[smem:$0x3FB6] =	sst s10  }
0x38: {  	s10 =	sld [smem:$0x3FB7]  }
0x39: {  	_ = 	snop;
	(pc) =	sbr.ind lr, $3  }
0x3a: {  	_ = 	snop  }
0x3b: {  	_ = 	snop  }
0x3c: {  	p2 =	seq.s32 s10, $0x1;
	s10 =	sld [smem:$0x3FB6]  }
0x3d: {  	_ =	shalt  }
0x3e: {  	_ =	shalt  }
0x3f: {  	_ =	shalt  }
0x40: {  	_ =	shalt  }
0x41: {  	_ =	shalt  }
0x42: {  	_ =	shalt  }
0x43: {  	_ =	shalt  }
0x44: {  	_ =	shalt  }
0x45: {  	_ =	shalt  }
0x46: {  	_ =	shalt  }
0x47: {  	_ =	shalt  }
0x48: {  	_ =	shalt  }
0x49: {  	_ =	shalt  }
0x4a: {  	_ =	shalt  }
0x4b: {  	_ =	shalt  }
0x4c: {  	_ =	shalt  }
0x4d: {  	_ =	shalt  }
0x4e: {  	_ =	shalt  }
0x4f: {  	_ =	shalt  }
0x50: {  	_ =	shalt  }
0x51: {  	_ =	shalt  }
0x52: {  	_ =	shalt  }
0x53: {  	_ =	shalt  }
0x54: {  	_ =	shalt  }
0x55: {  	_ =	shalt  }
0x56: {  	_ =	shalt  }
0x57: {  	_ =	shalt  }
0x58: {  	_ =	shalt  }
0x59: {  	_ =	shalt  }
0x5a: {  	_ =	shalt  }
0x5b: {  	_ =	shalt  }
0x5c: {  	_ =	shalt  }
0x5d: {  	_ =	shalt  }
0x5e: {  	_ =	shalt  }
0x5f: {  	_ =	shalt  }
0x60: {  	_ =	shalt  }
0x61: {  	_ =	shalt  }
0x62: {  	_ =	shalt  }
0x63: {  	_ =	shalt  }
0x64: {  	_ =	shalt  }
0x65: {  	_ =	shalt  }
0x66: {  	_ =	shalt  }
0x67: {  	_ =	shalt  }
0x68: {  	_ =	shalt  }
0x69: {  	_ =	shalt  }
0x6a: {  	_ =	shalt  }
0x6b: {  	_ =	shalt  }
0x6c: {  	_ =	shalt  }
0x6d: {  	_ =	shalt  }
0x6e: {  	_ =	shalt  }
0x6f: {  	_ =	shalt  }
0x70: {  	_ =	shalt  }
0x71: {  	_ =	shalt  }
0x72: {  	_ =	shalt  }
0x73: {  	_ =	shalt  }
0x74: {  	_ =	shalt  }
0x75: {  	_ =	shalt  }
0x76: {  	_ =	shalt  }
0x77: {  	_ =	shalt  }
0x78: {  	_ =	shalt  }
0x79: {  	_ =	shalt  }
0x7a: {  	_ =	shalt  }
0x7b: {  	_ =	shalt  }
0x7c: {  	_ =	shalt  }
0x7d: {  	_ =	shalt  }
0x7e: {  	_ =	shalt  }
0x7f: {  	_ =	shalt  }
0x80: {  	_ =	shalt  }
0x81: {  	_ =	shalt  }
0x82: {  	_ =	shalt  }
0x83: {  	_ =	shalt  }
0x84: {  	_ =	shalt  }
0x85: {  	_ =	shalt  }
0x86: {  	_ =	shalt  }
0x87: {  	_ =	shalt  }
.Lfunc_end0:
.L_simem_size_0:
called_computation.1_lowered:
.L_overlay_start_0:
0x88: {  	s2 =	sld [smem:$0x3FD9]  }
0x89: {  	s3 =	sld [smem:$0x3FFE];
	_ =	sdelay $0x1  }
0x8a: {  	s1 =	srdreg.scid  }
0x8b: {  	s0 =	sand.u32 $0x1, s1  }
0x8c: {  	s17 =	sshll.u32 s0, $0xA;
	s2 =	sadd.s32 s3, s2  }
0x8d: {  	s2 =	sadd.s32 s2, s17  }
0x8e: {  	[smem:$0x3FC2] =	sst s2  }
0x8f: {  	_ = 	snop  }
0x90: {  	s2 =	sld [smem:$0x3FC9]  }
0x91: {  	s18 =	sld [smem:$0x3FC8]  }
0x92: {  	s4 =	sld [smem:$0x3FC4];
	(tm) =	ssettm $0x1  }
0x93: {  	s5 =	sld [smem:$0x3FFB];
	_ =	sdelay $0x3  }
0x94: {  	_ =	strace s5  }
0x95: {  	s5 =	sld [smem:$0x3FFC];
	_ =	sdelay $0x3  }
0x96: {  	_ =	strace s5  }
0x97: {  	s5 =	sld [smem:$0x3FFD];
	_ =	sdelay $0x3  }
0x98: {  	_ =	strace s5  }
0x99: {  	_ =	strace $0x8FFFFFFF  }
0x9a: {  	s19 =	sld [smem:$0x3FDB];
	_ =	sdelay $0x1  }
0x9b: {  	s6 =	simm.s32 $_scs_section_size  }
0x9c: {  	s7 =	simm.s32 $_size__tile_overlayer_lowered;
	s8 =	simm.s32 $_tile_overlayer_lowered  }
0x9d: {  	s22 =	simm.s32 $0x1BFF;
	s21 =	sshll.u32 s8, $0x1;
	s5 =	sadd.s32 s6, s19  }
0x9e: {  	s9 =	simm.s32 $0x0;
	s20 =	sshll.u32 s7, $0x1;
	s7 =	sadd.s32 s21, s5  }
0x9f: {  	[timem:s9], [sflag:s22] =	dma.local [hbm:s7], s20  }
0xa0: {  	_ =	swait.ge [sflag:s22], s20  }
0xa1: {  	s6 =	ssub.s32 $0x0, s20;
	[sflag:s22] =	ssyncset.done $0x0  }
0xa2: {  	[sflag:s22] =	ssyncadd.s32 s6;
	_ =	sdelay $0x1  }
0xa3: {  	s23 =	simm.s32 $0x1B8B  }
0xa4: {  	_ =	swait.ge [sflag:s23], $0x1  }
0xa5: {  	[sflag:s23] =	ssyncset.done $0x0  }
0xa6: {  	s25 =	simm.s32 $0x1B8E;
	s24 =	sld [smem:$0x3FFE];
	[sflag:s23] =	ssyncadd.s32 $0xFFFFFFFF  }
0xa7: {  	s26 =	simm.s32 $execute0_lowered;
	[smem:$0x3FD2] =	sst s25  }
0xa8: {  	s7 =	sshll.u32 s26, $0x1;
	_ =	strace $0x80000049;
	[dreg:$0x1] =	wrdreg $0xFFFFFFFF  }
0xa9: {  	s28 =	simm.s32 $_size_execute0_lowered;
	s5 =	sadd.s32 s5, s7;
	[dreg:$0x0] =	wrdreg $0x0  }
0xaa: {  	s7 =	sshll.u32 s28, $0x1;
	[dreg:$0x2] =	wrdreg s5  }
0xab: {  	[dreg:$0x3] =	wrdreg s7  }
0xac: {  	[dreg:$0x4] =	wrdreg $0xC0  }
0xad: {  	_ =	task [dreg:s9], $0x5FFFF  }
0xae: {  	[dreg:$0x1] =	wrdreg $0xFFFFFFFF  }
0xaf: {  	[dreg:$0x0] =	wrdreg $0x60  }
0xb0: {  	[dreg:$0x2] =	wrdreg s2  }
0xb1: {  	[dreg:$0x3] =	wrdreg s18  }
0xb2: {  	[dreg:$0x4] =	wrdreg s24  }
0xb3: {  	[dreg:$0x5] =	wrdreg s4  }
0xb4: {  	[dreg:$0x6] =	wrdreg $0x100000  }
0xb5: {  	[dreg:$0x7] =	wrdreg $0x102000  }
0xb6: {  	[dreg:$0x8] =	wrdreg $0x9  }
0xb7: {  	_ =	task.clear_ibuf [dreg:s9], $0x9FFFF;
	_ =	strace $0x90000049  }
0xb8: {  	s29 =	simm.s32 $0x9;
	_ =	strace $0x8000004B  }
0xb9: {  	_ =	swait.ge [sflag:s29], $0x1  }
0xba: {  	[sflag:s29] =	ssyncadd.s32 $0xFFFFFFFF  }
0xbb: {  	_ =	strace $0x9000004B  }
0xbc: {  	_ =	sfence  }
0xbd: {  	s30 =	sld [smem:$0x0];
	_ =	sdelay $0x2  }
0xbe: {  	s31 =	sshll.u32 s1, $0xD;
	s1 =	sshrl.u32 s1, $0x2  }
0xbf: {  	s3 =	sand.u32 $0x4000, s31;
	s1 =	sadd.s32 s1, s30  }
0xc0: {  	s0 =	sor.u32 s3, s0;
	s1 =	sshll.u32 s1, $0x11  }
0xc1: {  	s0 =	sor.u32 s1, s0  }
0xc2: {  	s0 =	sadd.s32 $0x8F2B, s0  }
0xc3: {  	[sflag:s0] =	ssyncadd.remote.s32 $0x1  }
0xc4: {  	_ =	sfence.sel $0xFFFF  }
0xc5: {  	[dreg:$0x0] =	wrdreg $0xFFFFFFFF;
	(pc) =	sbr.abs _section_cstart, $3  }
0xc6: {  	[dreg:$0x1] =	wrdreg $0xFFFFFFFF  }
0xc7: {  	_ =	task.clear_ibuf [dreg:s9], $0x2FFFF;
	_ =	strace $0x9FFFFFFF  }
0xc8: {  	(tm) =	ssettm $0x7FFFFFFF  }
0xc9: {  	_ =	shalt  }
tec
execute0_lowered:
.L_overlay_start_1:
0x0: {  	(tag) =	ssettag $0x1  }
0x1: {  	s0 =	rddreg [dreg:$0x0]  }
0x2: {  	s14 =	rddreg [dreg:$0x1]  }
0x3: {  	s4 =	rddreg [dreg:$0x2]  }
0x4: {  	s15 =	rddreg [dreg:$0x3];
	s2 =	srdreg.scid  }
0x5: {  	s18 =	stileid.u32;
	s1 =	rddreg [dreg:$0x4]  }
0x6: {  	s13 =	sand.u32 $0x1, s2;
	s3 =	sshll.u32 s18, $0x1;
	s21 =	smul.u32 $0x4E200, s18  }
0x7: {  	s22 =	simm.s32 $0x50;
	s7 =	sor.u32 s13, s3;
	s26 =	smul.u32 $0x27100, s13  }
0x8: {  	s23 =	simm.s32 $0x2;
	s28 =	simm.s32 $0xB800;
	s5 =	smul.u32 $0x2710, s7  }
0x9: {  	s29 =	simm.s32 $0x0;
	s2 =	rddreg [dreg:$0x5];
	s6 =	smul.u32 $0x27100, s7  }
0xa: {  	p0 =	sne.s32 s18, $0x0;
	s18 =	simm.s32 $0x3;
	s9 =	smul.u32 $0xA, s7  }
0xb: {  	s3 =	simm.s32 $0x0;
	s11 =	smul.u32 $0x500, s7;
	s12 =	sor.u32 $0x20, s7  }
0xc: {  	s8 =	sshll.u32 s13, $0xA;
	s10 =	ssub.s32 $0x2, s13;
	s16 =	smul.u32 $0xA, s12  }
0xd: {  	[smem:$0x7FF] =	sst s3;
	s17 =	sor.u32 $0x40, s7;
	s12 =	smul.u32 $0x500, s12  }
0xe: {  	s8 =	sadd.s32 s8, s4;
	s25 =	sshrl.u32 s10, $0x1;
	s19 =	smul.u32 $0xA, s17  }
0xf: {  	s24 =	sor.u32 $0x60, s7;
	s21 =	sadd.s32 s21, s14;
	s17 =	smul.u32 $0x500, s17  }
0x10: {  	_ =	strace $0x8000004A;
	s10 =	ssub.s32 s10, s25;
	s20 =	smul.u32 $0xA, s24  }
0x11: {  	s7 =	sadd.s32 $0x1600, s8;
	s30 =	smul.u32 $0x500, s24;
	s31 =	sadd.s32 s26, s21  }
0x12: {  	s21 =	simm.s32 $0x9000;
	p1 =	sgt.u32 s24, $0x7C;
	s25 =	simm.s32 $0x6780  }
0x13: {  	s26 =	simm.s32 $0x4;
	s5 =	sshrl.u32 s5, $0x3;
	s9 =	sadd.s32 s15, s9  }
0x14: {  	s5 =	sadd.s32 s5, s4;
	s12 =	sadd.s32 s0, s12;
	s13 =	sadd.s32 s15, s19  }
0x15: {  	s19 =	simm.s32 $0x6800;
	s4 =	sadd.s32 $0x1E800, s5;
	s5 =	sadd.s32 s14, s6  }
0x16: {  	s6 =	sadd.s32 $0xE00, s8;
	s8 =	smax.u32 s10, $0x1;
	s10 =	sadd.s32 s0, s11  }
0x17: {  	s11 =	sadd.s32 s15, s16;
	s14 =	sadd.s32 s0, s17;
	s15 =	sadd.s32 s15, s20  }
0x18: {  	v0 =	vimm.f32 $0.0e+00;
	v1 =	vimm.f32 $1.000000000e+00;
	s16 =	sadd.s32 s0, s30;
	s17 =	sadd.s32 $0x500, s31;
	s20 =	simm.s32 $0x1  }
.LBB2_1:
0x19: {  	s0 =	simm.s32 $0x0;
	s30 =	simm.s32 $0x200  }
.LBB2_2:
0x1a: {  	p2 =	sne.s32 s30, $0x7E00;
	[tilespmem:s0+$0xE070] =	vst v0  }
0x1b: {  	[tilespmem:s0+$0xE000] =	vst v0  }
0x1c: {  	[tilespmem:s0+$0xE010] =	vst v0  }
.Ltmp0:
0x1d: {  	[tilespmem:s0+$0xE020] =	vst v0;
	(pc) =	sbr.rel @p2 .LBB2_2-.Ltmp0, $4  }
0x1e: {  	[tilespmem:s0+$0xE030] =	vst v0  }
0x1f: {  	[tilespmem:s0+$0xE040] =	vst v0  }
0x20: {  	[tilespmem:s0+$0xE050] =	vst v0  }
0x21: {  	[tilespmem:s0+$0xE060] =	vst v0;
	s0 =	sshra.s32 s30, $0x2;
	s30 =	sadd.s32 $0x200, s30  }
0x22: {  	[tilespmem:s0+$0xE070] =	vst v0  }
0x23: {  	[tilespmem:s0+$0xE000] =	vst v0  }
0x24: {  	[tilespmem:s0+$0xE010] =	vst v0  }
0x25: {  	[tilespmem:s0+$0xE020] =	vst v0  }
0x26: {  	[tilespmem:s0+$0xE030] =	vst v0  }
0x27: {  	[tilespmem:s0+$0xE040] =	vst v0  }
0x28: {  	[tilespmem:s0+$0xE050] =	vst v0  }
0x29: {  	[tilespmem:s0+$0xE060] =	vst v0;
	s0 =	simm.s32 $0x0;
	s30 =	simm.s32 $0x200  }
.LBB2_4:
0x2a: {  	p2 =	sne.s32 s30, $0x9E00;
	[tilespmem:s0+$0xB870] =	vst v1  }
0x2b: {  	[tilespmem:s0+$0xB800] =	vst v1  }
0x2c: {  	[tilespmem:s0+$0xB810] =	vst v1  }
.Ltmp1:
0x2d: {  	[tilespmem:s0+$0xB820] =	vst v1;
	(pc) =	sbr.rel @p2 .LBB2_4-.Ltmp1, $4  }
0x2e: {  	[tilespmem:s0+$0xB830] =	vst v1  }
0x2f: {  	[tilespmem:s0+$0xB840] =	vst v1  }
0x30: {  	[tilespmem:s0+$0xB850] =	vst v1  }
0x31: {  	[tilespmem:s0+$0xB860] =	vst v1;
	s0 =	sshra.s32 s30, $0x2;
	s30 =	sadd.s32 $0x200, s30  }
0x32: {  	[tilespmem:s0+$0xB870] =	vst v1  }
0x33: {  	[tilespmem:s0+$0xB800] =	vst v1  }
0x34: {  	[tilespmem:s0+$0xB810] =	vst v1  }
0x35: {  	[tilespmem:s0+$0xB820] =	vst v1  }
0x36: {  	[tilespmem:s0+$0xB830] =	vst v1  }
0x37: {  	[tilespmem:s0+$0xB840] =	vst v1  }
0x38: {  	[tilespmem:s0+$0xB850] =	vst v1  }
0x39: {  	[tilespmem:s0+$0xB860] =	vst v1;
	s0 =	simm.s32 @!p0 $0xE000;
	s30 =	simm.s32 @!p0 $0x3  }
0x3a: {  	[spmem:s1] =	stream.linear.scatter @!p0 [tilespmem:s0], [sflag:$0x3], $0x2000, $0x38;
	[tilespmem:$0x10400] =	vst v63  }
0x3b: {  	_ =	swait.ge @!p0 [sflag:s30], $0x2000  }
0x3c: {  	[sflag:s30] =	ssyncset.done @!p0 $0x0  }
0x3d: {  	[sflag:s30] =	ssyncadd.s32 @!p0 $0xFFFFE000  }
0x3e: {  	[spmem:s2] =	stream.linear.scatter @!p0 [tilespmem:s0], [sflag:$0x3], $0x2000, $0x38;
	[tilespmem:$0x10400] =	vst v63  }
0x3f: {  	_ =	swait.ge @!p0 [sflag:s30], $0x2000  }
0x40: {  	[sflag:s30] =	ssyncset.done @!p0 $0x0  }
0x41: {  	s24 =	simm.s32 $0x0;
	[sflag:s30] =	ssyncadd.s32 @!p0 $0xFFFFE000  }
0x42: {  	[tilespmem:s24], [sflag:$0x3] =	stream.linear.gather [hbm4b:s4+s24], $0x2710, $0x38;
	[tilespmem:$0x10400] =	vst v63  }
0x43: {  	_ =	swait.ge [sflag:s18], $0x2710  }
0x44: {  	[sflag:s18] =	ssyncset.done $0x0  }
0x45: {  	s24 =	simm.s32 $0x0;
	[sflag:s18] =	ssyncadd.s32 $0xFFFFD8F0  }
0x46: {  	v2 =	vld [tilespmem:s24+$0x0];
	_ =	sdelay $0x3  }
0x47: {  	s30 =	simm.s32 $0x27A0  }
0x48: {  	[tilespmem:s30+$0xFFFFFFE0] =	vst v2  }
0x49: {  	v2 =	vld [tilespmem:s24+$0x10];
	_ =	sdelay $0x4  }
0x4a: {  	[tilespmem:s30+$0xFFFFFFF0] =	vst v2  }
0x4b: {  	v2 =	vld [tilespmem:s24+$0x20];
	_ =	sdelay $0x4  }
0x4c: {  	[tilespmem:s30+$0x0] =	vst v2  }
0x4d: {  	v2 =	vld [tilespmem:s24+$0x30];
	_ =	sdelay $0x4  }
0x4e: {  	[tilespmem:s30+$0x10] =	vst v2  }
0x4f: {  	v2 =	vld [tilespmem:s24+$0x40];
	_ =	sdelay $0x4  }
0x50: {  	s31 =	simm.s32 $0x50;
	s0 =	simm.s32 $0x280;
	[tilespmem:s30+$0x20] =	vst v2  }
.LBB2_6:
0x51: {  	p2 =	sne.s32 s0, $0x9B00;
	v2 =	vld [tilespmem:s31+$0x0];
	_ =	sdelay $0x3  }
0x52: {  	s30 =	sadd.s32 $0x80, s30  }
0x53: {  	[tilespmem:s30+$0xFFFFFFE0] =	vst v2  }
0x54: {  	v2 =	vld [tilespmem:s31+$0x10];
	_ =	sdelay $0x4  }
0x55: {  	[tilespmem:s30+$0xFFFFFFF0] =	vst v2  }
0x56: {  	v2 =	vld [tilespmem:s31+$0x20];
	_ =	sdelay $0x4  }
0x57: {  	[tilespmem:s30+$0x0] =	vst v2  }
0x58: {  	v2 =	vld [tilespmem:s31+$0x30];
	_ =	sdelay $0x4  }
0x59: {  	[tilespmem:s30+$0x10] =	vst v2  }
0x5a: {  	v2 =	vld [tilespmem:s31+$0x40]  }
.Ltmp2:
0x5b: {  	(pc) =	sbr.rel @p2 .LBB2_6-.Ltmp2, $2  }
0x5c: {  	_ =	sdelay $0x2  }
0x5d: {  	s31 =	sshra.s32 s0, $0x2;
	s0 =	sadd.s32 $0x140, s0;
	[tilespmem:s30+$0x20] =	vst v2  }
0x5e: {  	v2 =	vld [tilespmem:s31+$0x0];
	_ =	sdelay $0x3  }
0x5f: {  	s0 =	sadd.s32 $0x80, s30  }
0x60: {  	[tilespmem:s0+$0xFFFFFFE0] =	vst v2  }
0x61: {  	v2 =	vld [tilespmem:s31+$0x10];
	_ =	sdelay $0x4  }
0x62: {  	[tilespmem:s0+$0xFFFFFFF0] =	vst v2  }
0x63: {  	v2 =	vld [tilespmem:s31+$0x20];
	_ =	sdelay $0x4  }
0x64: {  	[tilespmem:s0+$0x0] =	vst v2  }
0x65: {  	v2 =	vld [tilespmem:s31+$0x30];
	_ =	sdelay $0x4  }
0x66: {  	[tilespmem:s0+$0x10] =	vst v2  }
0x67: {  	v2 =	vld [tilespmem:s31+$0x40];
	_ =	sdelay $0x4  }
0x68: {  	[tilespmem:s0+$0x20] =	vst v2  }
0x69: {  	s24 =	simm.s32 $0x0;
	[bflag:$0x0] =	sbarrier.arrive $0xFFFF  }
0x6a: {  	[tilespmem:s19], [sflag:$0x1] =	stream.linear.gather [hbm4b:s5+s24], $0x2800, $0x38;
	[tilespmem:$0x10400] =	vst v63  }
0x6b: {  	_ =	swait.ge [sflag:s20], $0x2800  }
0x6c: {  	[sflag:s20] =	ssyncset.done $0x0  }
0x6d: {  	[sflag:s20] =	ssyncadd.s32 $0xFFFFD800  }
0x6e: {  	[tilespmem:s21], [sflag:$0x2] =	stream.linear.gather [hbm4b:s17+s3], $0x2800, $0x38;
	[tilespmem:$0x10400] =	vst v63  }
0x6f: {  	s31 =	simm.s32 $0x2780  }
0x70: {  	[spmem:s1] =	stream.indirect.scatter.add.f32 [tilespmem:s19], [sflag:$0x3], $0x80, s31, s22, $0xb8;
	[tilespmem:$0x10400] =	vst v63  }
0x71: {  	_ =	swait.ge [sflag:s18], $0x2800  }
0x72: {  	[sflag:s18] =	ssyncset.done $0x0  }
0x73: {  	[sflag:s18] =	ssyncadd.s32 $0xFFFFD800  }
0x74: {  	_ =	swait.ge [sflag:s23], $0x2800  }
0x75: {  	[sflag:s23] =	ssyncset.done $0x0  }
0x76: {  	s24 =	sadd.s32 $0x500, s17;
	[sflag:s23] =	ssyncadd.s32 $0xFFFFD800  }
0x77: {  	[tilespmem:s19], [sflag:$0x1] =	stream.linear.gather [hbm4b:s24+s3], $0x2800, $0x38;
	[tilespmem:$0x10400] =	vst v63  }
0x78: {  	s31 =	simm.s32 $0x2800  }
0x79: {  	[spmem:s1] =	stream.indirect.scatter.add.f32 [tilespmem:s21], [sflag:$0x3], $0x80, s31, s22, $0xb8;
	[tilespmem:$0x10400] =	vst v63  }
0x7a: {  	_ =	swait.ge [sflag:s18], $0x2800  }
0x7b: {  	s30 =	smov.u32 s17;
	s0 =	simm.s32 $0x400;
	[sflag:s18] =	ssyncset.done $0x0  }
.LBB2_8:
0x7c: {  	p2 =	sne.s32 s0, $0xF400;
	[sflag:s18] =	ssyncadd.s32 $0xFFFFD800;
	s30 =	sadd.s32 $0xA00, s30  }
0x7d: {  	s31 =	smov.u32 s0;
	s0 =	sadd.s32 $0x400, s0  }
0x7e: {  	_ =	swait.ge [sflag:s20], $0x2800  }
0x7f: {  	[sflag:s20] =	ssyncset.done $0x0  }
0x80: {  	s31 =	sshra.s32 s31, $0x2;
	[sflag:s20] =	ssyncadd.s32 $0xFFFFD800  }
0x81: {  	[tilespmem:s21], [sflag:$0x2] =	stream.linear.gather [hbm4b:s30+s3], $0x2800, $0x38;
	[tilespmem:$0x10400] =	vst v63  }
0x82: {  	s24 =	sadd.s32 $0x2780, s31  }
0x83: {  	[spmem:s1] =	stream.indirect.scatter.add.f32 [tilespmem:s19], [sflag:$0x3], $0x80, s24, s22, $0xb8;
	[tilespmem:$0x10400] =	vst v63  }
0x84: {  	_ =	swait.ge [sflag:s18], $0x2800  }
0x85: {  	[sflag:s18] =	ssyncset.done $0x0  }
0x86: {  	[sflag:s18] =	ssyncadd.s32 $0xFFFFD800  }
0x87: {  	_ =	swait.ge [sflag:s23], $0x2800  }
0x88: {  	[sflag:s23] =	ssyncset.done $0x0  }
0x89: {  	s24 =	sadd.s32 $0x500, s30;
	[sflag:s23] =	ssyncadd.s32 $0xFFFFD800  }
0x8a: {  	[tilespmem:s19], [sflag:$0x1] =	stream.linear.gather [hbm4b:s24+s3], $0x2800, $0x38;
	[tilespmem:$0x10400] =	vst v63  }
.Ltmp3:
0x8b: {  	_ = 	snop;
	(pc) =	sbr.rel @p2 .LBB2_8-.Ltmp3, $4  }
0x8c: {  	s24 =	sadd.s32 $0x2800, s31  }
0x8d: {  	[spmem:s1] =	stream.indirect.scatter.add.f32 [tilespmem:s21], [sflag:$0x3], $0x80, s24, s22, $0xb8;
	[tilespmem:$0x10400] =	vst v63  }
0x8e: {  	_ =	swait.ge [sflag:s18], $0x2800  }
0x8f: {  	[sflag:s18] =	ssyncset.done $0x0  }
0x90: {  	[sflag:s18] =	ssyncadd.s32 $0xFFFFD800  }
0x91: {  	_ =	swait.ge [sflag:s20], $0x2800  }
0x92: {  	[sflag:s20] =	ssyncset.done $0x0  }
0x93: {  	s0 =	simm.s32 $0x6580;
	[sflag:s20] =	ssyncadd.s32 $0xFFFFD800  }
0x94: {  	[spmem:s1] =	stream.indirect.scatter.add.f32 [tilespmem:s19], [sflag:$0x3], $0x80, s0, s22, $0xb8;
	[tilespmem:$0x10400] =	vst v63  }
0x95: {  	_ =	swait.ge [sflag:s18], $0x2800  }
0x96: {  	[sflag:s18] =	ssyncset.done $0x0  }
0x97: {  	[sflag:s18] =	ssyncadd.s32 $0xFFFFD800  }
0x98: {  	[tilespmem:s25], [sflag:$0x4] =	stream.linear.gather [hbm4b:s9+s3], $0x50, $0x38;
	[tilespmem:$0x10400] =	vst v63  }
0x99: {  	_ =	swait.ge [sflag:s26], $0x50  }
0x9a: {  	[sflag:s26] =	ssyncset.done $0x0  }
0x9b: {  	[sflag:s26] =	ssyncadd.s32 $0xFFFFFFB0  }
0x9c: {  	[tilespmem:s19], [sflag:$0x4] =	stream.linear.gather [hbm4b:s10+s3], $0x2800, $0x38;
	[tilespmem:$0x10400] =	vst v63  }
0x9d: {  	_ =	swait.ge [sflag:s26], $0x2800  }
0x9e: {  	[sflag:s26] =	ssyncset.done $0x0  }
0x9f: {  	[sflag:s26] =	ssyncadd.s32 $0xFFFFD800  }
0xa0: {  	[spmem:s1] =	stream.indirect.scatter.add.f32 [tilespmem:s19], [sflag:$0x4], $0x80, s25, s22, $0xb8;
	[tilespmem:$0x10400] =	vst v63  }
0xa1: {  	_ =	swait.ge [sflag:s26], $0x2800  }
0xa2: {  	[sflag:s26] =	ssyncset.done $0x0  }
0xa3: {  	[sflag:s26] =	ssyncadd.s32 $0xFFFFD800  }
0xa4: {  	[spmem:s2] =	stream.indirect.scatter.add.f32 [tilespmem:s28], [sflag:$0x3], $0x80, s25, s22, $0xb8;
	[tilespmem:$0x10400] =	vst v63  }
0xa5: {  	_ =	swait.ge [sflag:s18], $0x2800  }
0xa6: {  	[sflag:s18] =	ssyncset.done $0x0  }
0xa7: {  	[sflag:s18] =	ssyncadd.s32 $0xFFFFD800  }
0xa8: {  	[tilespmem:s25], [sflag:$0x4] =	stream.linear.gather [hbm4b:s11+s3], $0x50, $0x38;
	[tilespmem:$0x10400] =	vst v63  }
0xa9: {  	_ =	swait.ge [sflag:s26], $0x50  }
0xaa: {  	[sflag:s26] =	ssyncset.done $0x0  }
0xab: {  	[sflag:s26] =	ssyncadd.s32 $0xFFFFFFB0  }
0xac: {  	[tilespmem:s19], [sflag:$0x4] =	stream.linear.gather [hbm4b:s12+s3], $0x2800, $0x38;
	[tilespmem:$0x10400] =	vst v63  }
0xad: {  	_ =	swait.ge [sflag:s26], $0x2800  }
0xae: {  	[sflag:s26] =	ssyncset.done $0x0  }
0xaf: {  	[sflag:s26] =	ssyncadd.s32 $0xFFFFD800  }
0xb0: {  	[spmem:s1] =	stream.indirect.scatter.add.f32 [tilespmem:s19], [sflag:$0x4], $0x80, s25, s22, $0xb8;
	[tilespmem:$0x10400] =	vst v63  }
0xb1: {  	_ =	swait.ge [sflag:s26], $0x2800  }
0xb2: {  	[sflag:s26] =	ssyncset.done $0x0  }
0xb3: {  	[sflag:s26] =	ssyncadd.s32 $0xFFFFD800  }
0xb4: {  	[spmem:s2] =	stream.indirect.scatter.add.f32 [tilespmem:s28], [sflag:$0x3], $0x80, s25, s22, $0xb8;
	[tilespmem:$0x10400] =	vst v63  }
0xb5: {  	_ =	swait.ge [sflag:s18], $0x2800  }
0xb6: {  	[sflag:s18] =	ssyncset.done $0x0  }
0xb7: {  	[sflag:s18] =	ssyncadd.s32 $0xFFFFD800  }
0xb8: {  	[tilespmem:s25], [sflag:$0x4] =	stream.linear.gather [hbm4b:s13+s3], $0x50, $0x38;
	[tilespmem:$0x10400] =	vst v63  }
0xb9: {  	_ =	swait.ge [sflag:s26], $0x50  }
0xba: {  	[sflag:s26] =	ssyncset.done $0x0  }
0xbb: {  	[sflag:s26] =	ssyncadd.s32 $0xFFFFFFB0  }
0xbc: {  	[tilespmem:s19], [sflag:$0x4] =	stream.linear.gather [hbm4b:s14+s3], $0x2800, $0x38;
	[tilespmem:$0x10400] =	vst v63  }
0xbd: {  	_ =	swait.ge [sflag:s26], $0x2800  }
0xbe: {  	[sflag:s26] =	ssyncset.done $0x0  }
0xbf: {  	[sflag:s26] =	ssyncadd.s32 $0xFFFFD800  }
0xc0: {  	[spmem:s1] =	stream.indirect.scatter.add.f32 [tilespmem:s19], [sflag:$0x4], $0x80, s25, s22, $0xb8;
	[tilespmem:$0x10400] =	vst v63  }
0xc1: {  	_ =	swait.ge [sflag:s26], $0x2800  }
0xc2: {  	[sflag:s26] =	ssyncset.done $0x0  }
0xc3: {  	[sflag:s26] =	ssyncadd.s32 $0xFFFFD800  }
0xc4: {  	[spmem:s2] =	stream.indirect.scatter.add.f32 [tilespmem:s28], [sflag:$0x3], $0x80, s25, s22, $0xb8;
	[tilespmem:$0x10400] =	vst v63  }
0xc5: {  	_ =	swait.ge [sflag:s18], $0x2800  }
0xc6: {  	s24 =	simm.s32 @!p1 $0x6780;
	[sflag:s18] =	ssyncset.done $0x0  }
0xc7: {  	s30 =	simm.s32 @!p1 $0x4;
	s0 =	simm.s32 @!p1 $0x0;
	[sflag:s18] =	ssyncadd.s32 $0xFFFFD800  }
0xc8: {  	[tilespmem:s24], [sflag:$0x4] =	stream.linear.gather @!p1 [hbm4b:s15+s0], $0x50, $0x38;
	[tilespmem:$0x10400] =	vst v63  }
0xc9: {  	_ =	swait.ge @!p1 [sflag:s30], $0x50  }
0xca: {  	[sflag:s30] =	ssyncset.done @!p1 $0x0  }
0xcb: {  	s31 =	simm.s32 @!p1 $0x6800;
	[sflag:s30] =	ssyncadd.s32 @!p1 $0xFFFFFFB0  }
0xcc: {  	[tilespmem:s31], [sflag:$0x4] =	stream.linear.gather @!p1 [hbm4b:s16+s0], $0x2800, $0x38;
	[tilespmem:$0x10400] =	vst v63  }
0xcd: {  	_ =	swait.ge @!p1 [sflag:s30], $0x2800  }
0xce: {  	[sflag:s30] =	ssyncset.done @!p1 $0x0  }
0xcf: {  	s0 =	simm.s32 @!p1 $0x50;
	[sflag:s30] =	ssyncadd.s32 @!p1 $0xFFFFD800  }
0xd0: {  	[spmem:s1] =	stream.indirect.scatter.add.f32 @!p1 [tilespmem:s31], [sflag:$0x4], $0x80, s24, s0, $0xb8;
	[tilespmem:$0x10400] =	vst v63  }
0xd1: {  	_ =	swait.ge @!p1 [sflag:s30], $0x2800  }
0xd2: {  	[sflag:s30] =	ssyncset.done @!p1 $0x0  }
0xd3: {  	[sflag:s30] =	ssyncadd.s32 @!p1 $0xFFFFD800;
	s30 =	simm.s32 @!p1 $0xB800  }
0xd4: {  	[spmem:s2] =	stream.indirect.scatter.add.f32 @!p1 [tilespmem:s30], [sflag:$0x3], $0x80, s24, s0, $0xb8;
	[tilespmem:$0x10400] =	vst v63  }
0xd5: {  	s0 =	simm.s32 @!p1 $0x3  }
0xd6: {  	_ =	swait.ge @!p1 [sflag:s0], $0x2800  }
0xd7: {  	[sflag:s0] =	ssyncset.done @!p1 $0x0  }
0xd8: {  	[sflag:s0] =	ssyncadd.s32 @!p1 $0xFFFFD800  }
0xd9: {  	s24 =	simm.s32 @!p0 $0x1C03;
	s0 =	sshrl.u32 @!p0 s1, $0x3;
	[bflag:$0x0] =	sbarrier.arrive $0xFFFF  }
0xda: {  	[hbm:s6], [sflag:s24] =	dma.local @!p0 [spmem:s0], $0x400  }
0xdb: {  	s0 =	simm.s32 @!p0 $0x3  }
0xdc: {  	s29 =	sadd.s32 $0x1, s29;
	_ =	swait.ge @!p0 [sflag:s0], $0x400  }
0xdd: {  	p2 =	sne.s32 s29, s8;
	[sflag:s0] =	ssyncset.done @!p0 $0x0  }
.Ltmp4:
0xde: {  	s30 =	sshrl.u32 @!p0 s2, $0x3;
	[sflag:s0] =	ssyncadd.s32 @!p0 $0xFFFFFC00;
	(pc) =	sbr.rel @p2 .LBB2_1-.Ltmp4, $4  }
0xdf: {  	[hbm:s7], [sflag:s24] =	dma.local @!p0 [spmem:s30], $0x400  }
0xe0: {  	_ =	swait.ge @!p0 [sflag:s0], $0x400  }
0xe1: {  	[sflag:s0] =	ssyncset.done @!p0 $0x0  }
0xe2: {  	[sflag:s0] =	ssyncadd.s32 @!p0 $0xFFFFFC00  }
0xe3: {  	_ =	sfence.sel $0x180000  }
0xe4: {  	[bflag:$0x0] =	sbarrier.arrive $0xFFFF  }
0xe5: {  	_ =	strace $0x9000004A  }
0xe6: {  	[bflag:$0x2] =	sbarrier.arrive $0xFFFF  }
0xe7: {  	s0 =	rddreg [dreg:$0x6]  }
0xe8: {  	s0 =	sadd.s32 @!p0 $0x100000, s0  }
0xe9: {  	[sflag:s0] =	ssyncadd.tile.s32 @!p0 $0x1;
	_ =	shalt  }
.Lfunc_end2:
_tile_overlayer_lowered:
.L_overlay_start_2:
0xea: {  	(tag) =	ssettag $0x2  }
0xeb: {  	s0 =	rddreg [dreg:$0x0];
	s2 =	stileid.u32  }
0xec: {  	s1 =	rddreg [dreg:$0x1];
	p0 =	sne.s32 s2, $0x0  }
0xed: {  	s3 =	rddreg [dreg:$0x2];
	[bflag:$0x3] =	sbarrier.arrive $0xFFFF;
	s2 =	simm.s32 @!p0 $0x1C03  }
0xee: {  	[timem:s3], [sflag:s2] =	dma.local @!p0 [hbm:s0], s1  }
0xef: {  	s0 =	simm.s32 @!p0 $0x3  }
0xf0: {  	_ =	swait.ge @!p0 [sflag:s0], s1  }
0xf1: {  	s1 =	ssub.s32 @!p0 $0x0, s1;
	[sflag:s0] =	ssyncset.done @!p0 $0x0  }
0xf2: {  	[sflag:s0] =	ssyncadd.s32 @!p0 s1  }
0xf3: {  	[bflag:$0x3] =	sbarrier.arrive $0xFFFF  }
0xf4: {  	_ =	shalt  }

</sc_bundles>
